<compile_context>
chip_gen: v7x
topology: tpu7x:2x2x1
jax: 0.10.2.dev20260603
libtpu: 0.0.44.dev20260713+nightly
codegen_flags: <defaults>
</compile_context>

<pallas_src>
import jax
import jax.numpy as jnp
from jax import lax
from jax.experimental import pallas as pl
from jax.experimental.pallas import tpu as pltpu
from jax.experimental.pallas import tpu_sc as plsc

N = 10000
D = 256
G = 128
GU = 128
HID = 512
OUT = 256

NC = 2
NS = 16
NW = NC * NS
RPW = 312
REM = N - NW * RPW

_DN_T = (((1,), (1,)), ((), ()))


def _sc_segsum(x_hbm, batch_hbm, sums_out, acc, xbuf, idxf):
    c = lax.axis_index("c")
    s = lax.axis_index("s")
    w = s * NC + c

    z16 = jnp.zeros((16,), jnp.float32)

    @plsc.parallel_loop(0, G, unroll=4)
    def _zero_row(r):
        for k in range(D // 16):
            acc[r, pl.ds(16 * k, 16)] = z16

    base = w * RPW
    pltpu.sync_copy(x_hbm.at[pl.ds(base, RPW), :], xbuf.at[pl.ds(0, RPW), :])
    pltpu.sync_copy(batch_hbm.at[pl.ds(base, RPW)], idxf.at[pl.ds(0, RPW)])

    @pl.when(w == 0)
    def _stage_rem():
        pltpu.sync_copy(x_hbm.at[pl.ds(NW * RPW, REM), :],
                        xbuf.at[pl.ds(RPW, REM), :])
        pltpu.sync_copy(batch_hbm.at[pl.ds(NW * RPW, REM)],
                        idxf.at[pl.ds(RPW, REM)])

    nrows = jnp.where(w == 0, RPW + REM, RPW)

    @plsc.parallel_loop(0, nrows, unroll=4)
    def _row(r):
        seg = idxf[pl.ds(r, 16)][0]
        for k in range(D // 16):
            plsc.addupdate(acc.at[seg, pl.ds(16 * k, 16)],
                           xbuf[r, pl.ds(16 * k, 16)])

    pltpu.sync_copy(acc, sums_out.at[w])


def _mlp_kernel(sums32_ref, batch_ref, u_ref, w1_ref, b1_ref, w2_ref,
                b2_ref, out_ref):
    sums = sums32_ref[0]
    for t in range(1, NW):
        sums += sums32_ref[t]
    seg = batch_ref[...]
    seg_b = jnp.broadcast_to(seg, (G, N))
    gids = lax.broadcasted_iota(jnp.int32, (G, N), 0)
    cnt = jnp.sum((gids == seg_b).astype(jnp.float32), axis=1,
                  keepdims=True)
    mean = sums / jnp.clip(cnt, 1.0, None)
    h = lax.dot_general(u_ref[...], w1_ref[:, :GU], _DN_T,
                        preferred_element_type=jnp.float32)
    h += lax.dot_general(mean, w1_ref[:, GU:], _DN_T,
                         preferred_element_type=jnp.float32)
    h = jnp.maximum(h + b1_ref[...], 0.0)
    y = lax.dot_general(h, w2_ref[...], _DN_T,
                        preferred_element_type=jnp.float32)
    out_ref[...] = y + b2_ref[...]


def kernel(x, edge_index, edge_attr, u, batch, W1, b1, W2, b2):
    del edge_index, edge_attr

    sums32 = pl.kernel(
        _sc_segsum,
        out_type=jax.ShapeDtypeStruct((NW, G, D), jnp.float32),
        mesh=plsc.VectorSubcoreMesh(core_axis_name="c",
                                    subcore_axis_name="s"),
        scratch_types=[
            pltpu.VMEM((G, D), jnp.float32),
            pltpu.VMEM((RPW + REM, D), jnp.float32),
            pltpu.VMEM((RPW + REM + 16,), jnp.int32),
        ],
    )(x, batch)

    b1r = b1.reshape(1, HID)
    b2r = b2.reshape(1, OUT)
    batch2 = batch.reshape(1, N)

    return pl.pallas_call(
        _mlp_kernel,
        out_shape=jax.ShapeDtypeStruct((G, OUT), jnp.float32),
    )(sums32, batch2, u, W1, b1r, W2, b2r)

# --- scband reference (transcript-rebuilt; emitter-appended) ---
"""Pipeline reference for scband-global-model-73263552135825 (READ-ONLY COPY).

The authoritative reference and input builder live on the scoring server;
editing this copy changes nothing except your own understanding.
"""

import jax, jax.numpy as jnp
import numpy as np

N = 10000
E = 160000
D = 256
DE = 16
G = 128
GU = 128
HID = 512
OUT = 256

def setup_inputs(seed: int = 0) -> dict:
    key = jax.random.key(seed)
    ks = jax.random.split(key, 9)
    x = jax.random.normal(ks[0], (N, D), dtype=jnp.float32)
    edge_index = jax.random.randint(ks[1], (2, E), 0, N, dtype=jnp.int32)
    edge_attr = jax.random.normal(ks[2], (E, DE), dtype=jnp.float32)
    u = jax.random.normal(ks[3], (G, GU), dtype=jnp.float32)
    batch = jnp.sort(jax.random.randint(ks[4], (N,), 0, G, dtype=jnp.int32))
    W1 = jax.random.normal(ks[5], (HID, GU + D), dtype=jnp.float32) * 0.05
    b1 = jnp.zeros((HID,), dtype=jnp.float32)
    W2 = jax.random.normal(ks[6], (OUT, HID), dtype=jnp.float32) * 0.05
    b2 = jnp.zeros((OUT,), dtype=jnp.float32)
    return {"x": x, "edge_index": edge_index, "edge_attr": edge_attr, "u": u, "batch": batch,
            "W1": W1, "b1": b1, "W2": W2, "b2": b2}

def reference(x, edge_index, edge_attr, u, batch, W1, b1, W2, b2):
    # scatter_mean(x, batch, dim=0) with dim_size = G
    sums = jax.ops.segment_sum(x, batch, num_segments=G)
    counts = jax.ops.segment_sum(jnp.ones((x.shape[0],), dtype=x.dtype), batch, num_segments=G)
    mean = sums / jnp.clip(counts, 1.0, None)[:, None]
    out = jnp.concatenate([u, mean], axis=1)
    h = jnp.maximum(out @ W1.T + b1, 0.0)
    return h @ W2.T + b2

if __name__ == "__main__":
    import jax
    _d = setup_inputs()
    print(jax.jit(kernel)(*tuple(_d.values())))

</pallas_src>

<mosaic_0001>
#map = affine_map<(d0, d1) -> (0, 0)>
#map1 = affine_map<(d0, d1) -> (0)>
#map2 = affine_map<(d0, d1) -> (0, 0, 0)>
module attributes {stable_mosaic.version = 14 : i64} {
  func.func @_sc_segsum(%arg0: i32, %arg1: i32, %arg2: memref<10000x256xf32, #tpu.memory_space<hbm>>, %arg3: memref<10000xi32, #tpu.memory_space<hbm>>, %arg4: memref<32x128x256xf32, #tpu.memory_space<hbm>>, %arg5: memref<128x256xf32, #tpu.memory_space<vmem>>, %arg6: memref<328x256xf32, #tpu.memory_space<vmem>>, %arg7: memref<344xi32, #tpu.memory_space<vmem>>) attributes {dimension_semantics = [#tpu.dimension_semantics<core_parallel>, #tpu.dimension_semantics<subcore_parallel>], iteration_bounds = array<i64: 2, 16>, scalar_prefetch = 0 : i64, scratch_operands = 3 : i64, tpu.core_type = #tpu.core_type<sc_vector_subcore>, window_params = [{transform_indices = #map}, {transform_indices = #map1}, {transform_indices = #map2}]} {
    %mul3A = arith.constant 2 : i32
    %mul3A_0 = arith.muli %arg1, %mul3A : i32
    %add3A = arith.addi %mul3A_0, %arg0 : i32
    %broadcast_in_dim3A = arith.constant 0.000000e+00 : f32
    %broadcast_in_dim3A_1 = vector.broadcast %broadcast_in_dim3A : f32 to vector<16xf32>
    %parallel_loop3A = arith.constant 0 : i32
    %parallel_loop3A_2 = arith.constant 128 : i32
    %parallel_loop3A_3 = arith.constant 1 : i32
    scf.for %parallel_loop3A_13 = %parallel_loop3A to %parallel_loop3A_2 step %parallel_loop3A_3  : i32 {
      %parallel_loop3A_14 = arith.index_cast %parallel_loop3A_13 : i32 to index
      %parallel_loop3A_15 = arith.constant 0 : index
      %parallel_loop3A_16 = tpu.vector_load %arg5[%parallel_loop3A_14, %parallel_loop3A_15] {strides = array<i32>} : memref<128x256xf32, #tpu.memory_space<vmem>>, vector<1x16xf32>,
      %parallel_loop3A_17 = vector.shape_cast %parallel_loop3A_16 : vector<1x16xf32> to vector<16xf32>
      %parallel_loop3A_18 = vector.shape_cast %broadcast_in_dim3A_1 : vector<16xf32> to vector<1x16xf32>
      tpu.vector_store %arg5[%parallel_loop3A_14, %parallel_loop3A_15], %parallel_loop3A_18 {strides = array<i32>} : memref<128x256xf32, #tpu.memory_space<vmem>>, vector<1x16xf32>,
      %parallel_loop3A_19 = arith.index_cast %parallel_loop3A_13 : i32 to index
      %parallel_loop3A_20 = arith.constant 16 : index
      %parallel_loop3A_21 = tpu.vector_load %arg5[%parallel_loop3A_19, %parallel_loop3A_20] {strides = array<i32>} : memref<128x256xf32, #tpu.memory_space<vmem>>, vector<1x16xf32>,
      %parallel_loop3A_22 = vector.shape_cast %parallel_loop3A_21 : vector<1x16xf32> to vector<16xf32>
      %parallel_loop3A_23 = vector.shape_cast %broadcast_in_dim3A_1 : vector<16xf32> to vector<1x16xf32>
      tpu.vector_store %arg5[%parallel_loop3A_19, %parallel_loop3A_20], %parallel_loop3A_23 {strides = array<i32>} : memref<128x256xf32, #tpu.memory_space<vmem>>, vector<1x16xf32>,
      %parallel_loop3A_24 = arith.index_cast %parallel_loop3A_13 : i32 to index
      %parallel_loop3A_25 = arith.constant 32 : index
      %parallel_loop3A_26 = tpu.vector_load %arg5[%parallel_loop3A_24, %parallel_loop3A_25] {strides = array<i32>} : memref<128x256xf32, #tpu.memory_space<vmem>>, vector<1x16xf32>,
      %parallel_loop3A_27 = vector.shape_cast %parallel_loop3A_26 : vector<1x16xf32> to vector<16xf32>
      %parallel_loop3A_28 = vector.shape_cast %broadcast_in_dim3A_1 : vector<16xf32> to vector<1x16xf32>
      tpu.vector_store %arg5[%parallel_loop3A_24, %parallel_loop3A_25], %parallel_loop3A_28 {strides = array<i32>} : memref<128x256xf32, #tpu.memory_space<vmem>>, vector<1x16xf32>,
      %parallel_loop3A_29 = arith.index_cast %parallel_loop3A_13 : i32 to index
      %parallel_loop3A_30 = arith.constant 48 : index
      %parallel_loop3A_31 = tpu.vector_load %arg5[%parallel_loop3A_29, %parallel_loop3A_30] {strides = array<i32>} : memref<128x256xf32, #tpu.memory_space<vmem>>, vector<1x16xf32>,
      %parallel_loop3A_32 = vector.shape_cast %parallel_loop3A_31 : vector<1x16xf32> to vector<16xf32>
      %parallel_loop3A_33 = vector.shape_cast %broadcast_in_dim3A_1 : vector<16xf32> to vector<1x16xf32>
      tpu.vector_store %arg5[%parallel_loop3A_29, %parallel_loop3A_30], %parallel_loop3A_33 {strides = array<i32>} : memref<128x256xf32, #tpu.memory_space<vmem>>, vector<1x16xf32>,
      %parallel_loop3A_34 = arith.index_cast %parallel_loop3A_13 : i32 to index
      %parallel_loop3A_35 = arith.constant 64 : index
      %parallel_loop3A_36 = tpu.vector_load %arg5[%parallel_loop3A_34, %parallel_loop3A_35] {strides = array<i32>} : memref<128x256xf32, #tpu.memory_space<vmem>>, vector<1x16xf32>,
      %parallel_loop3A_37 = vector.shape_cast %parallel_loop3A_36 : vector<1x16xf32> to vector<16xf32>
      %parallel_loop3A_38 = vector.shape_cast %broadcast_in_dim3A_1 : vector<16xf32> to vector<1x16xf32>
      tpu.vector_store %arg5[%parallel_loop3A_34, %parallel_loop3A_35], %parallel_loop3A_38 {strides = array<i32>} : memref<128x256xf32, #tpu.memory_space<vmem>>, vector<1x16xf32>,
      %parallel_loop3A_39 = arith.index_cast %parallel_loop3A_13 : i32 to index
      %parallel_loop3A_40 = arith.constant 80 : index
      %parallel_loop3A_41 = tpu.vector_load %arg5[%parallel_loop3A_39, %parallel_loop3A_40] {strides = array<i32>} : memref<128x256xf32, #tpu.memory_space<vmem>>, vector<1x16xf32>,
      %parallel_loop3A_42 = vector.shape_cast %parallel_loop3A_41 : vector<1x16xf32> to vector<16xf32>
      %parallel_loop3A_43 = vector.shape_cast %broadcast_in_dim3A_1 : vector<16xf32> to vector<1x16xf32>
      tpu.vector_store %arg5[%parallel_loop3A_39, %parallel_loop3A_40], %parallel_loop3A_43 {strides = array<i32>} : memref<128x256xf32, #tpu.memory_space<vmem>>, vector<1x16xf32>,
      %parallel_loop3A_44 = arith.index_cast %parallel_loop3A_13 : i32 to index
      %parallel_loop3A_45 = arith.constant 96 : index
      %parallel_loop3A_46 = tpu.vector_load %arg5[%parallel_loop3A_44, %parallel_loop3A_45] {strides = array<i32>} : memref<128x256xf32, #tpu.memory_space<vmem>>, vector<1x16xf32>,
      %parallel_loop3A_47 = vector.shape_cast %parallel_loop3A_46 : vector<1x16xf32> to vector<16xf32>
      %parallel_loop3A_48 = vector.shape_cast %broadcast_in_dim3A_1 : vector<16xf32> to vector<1x16xf32>
      tpu.vector_store %arg5[%parallel_loop3A_44, %parallel_loop3A_45], %parallel_loop3A_48 {strides = array<i32>} : memref<128x256xf32, #tpu.memory_space<vmem>>, vector<1x16xf32>,
      %parallel_loop3A_49 = arith.index_cast %parallel_loop3A_13 : i32 to index
      %parallel_loop3A_50 = arith.constant 112 : index
      %parallel_loop3A_51 = tpu.vector_load %arg5[%parallel_loop3A_49, %parallel_loop3A_50] {strides = array<i32>} : memref<128x256xf32, #tpu.memory_space<vmem>>, vector<1x16xf32>,
      %parallel_loop3A_52 = vector.shape_cast %parallel_loop3A_51 : vector<1x16xf32> to vector<16xf32>
      %parallel_loop3A_53 = vector.shape_cast %broadcast_in_dim3A_1 : vector<16xf32> to vector<1x16xf32>
      tpu.vector_store %arg5[%parallel_loop3A_49, %parallel_loop3A_50], %parallel_loop3A_53 {strides = array<i32>} : memref<128x256xf32, #tpu.memory_space<vmem>>, vector<1x16xf32>,
      %parallel_loop3A_54 = arith.index_cast %parallel_loop3A_13 : i32 to index
      %parallel_loop3A_55 = arith.constant 128 : index
      %parallel_loop3A_56 = tpu.vector_load %arg5[%parallel_loop3A_54, %parallel_loop3A_55] {strides = array<i32>} : memref<128x256xf32, #tpu.memory_space<vmem>>, vector<1x16xf32>,
      %parallel_loop3A_57 = vector.shape_cast %parallel_loop3A_56 : vector<1x16xf32> to vector<16xf32>
      %parallel_loop3A_58 = vector.shape_cast %broadcast_in_dim3A_1 : vector<16xf32> to vector<1x16xf32>
      tpu.vector_store %arg5[%parallel_loop3A_54, %parallel_loop3A_55], %parallel_loop3A_58 {strides = array<i32>} : memref<128x256xf32, #tpu.memory_space<vmem>>, vector<1x16xf32>,
      %parallel_loop3A_59 = arith.index_cast %parallel_loop3A_13 : i32 to index
      %parallel_loop3A_60 = arith.constant 144 : index
      %parallel_loop3A_61 = tpu.vector_load %arg5[%parallel_loop3A_59, %parallel_loop3A_60] {strides = array<i32>} : memref<128x256xf32, #tpu.memory_space<vmem>>, vector<1x16xf32>,
      %parallel_loop3A_62 = vector.shape_cast %parallel_loop3A_61 : vector<1x16xf32> to vector<16xf32>
      %parallel_loop3A_63 = vector.shape_cast %broadcast_in_dim3A_1 : vector<16xf32> to vector<1x16xf32>
      tpu.vector_store %arg5[%parallel_loop3A_59, %parallel_loop3A_60], %parallel_loop3A_63 {strides = array<i32>} : memref<128x256xf32, #tpu.memory_space<vmem>>, vector<1x16xf32>,
      %parallel_loop3A_64 = arith.index_cast %parallel_loop3A_13 : i32 to index
      %parallel_loop3A_65 = arith.constant 160 : index
      %parallel_loop3A_66 = tpu.vector_load %arg5[%parallel_loop3A_64, %parallel_loop3A_65] {strides = array<i32>} : memref<128x256xf32, #tpu.memory_space<vmem>>, vector<1x16xf32>,
      %parallel_loop3A_67 = vector.shape_cast %parallel_loop3A_66 : vector<1x16xf32> to vector<16xf32>
      %parallel_loop3A_68 = vector.shape_cast %broadcast_in_dim3A_1 : vector<16xf32> to vector<1x16xf32>
      tpu.vector_store %arg5[%parallel_loop3A_64, %parallel_loop3A_65], %parallel_loop3A_68 {strides = array<i32>} : memref<128x256xf32, #tpu.memory_space<vmem>>, vector<1x16xf32>,
      %parallel_loop3A_69 = arith.index_cast %parallel_loop3A_13 : i32 to index
      %parallel_loop3A_70 = arith.constant 176 : index
      %parallel_loop3A_71 = tpu.vector_load %arg5[%parallel_loop3A_69, %parallel_loop3A_70] {strides = array<i32>} : memref<128x256xf32, #tpu.memory_space<vmem>>, vector<1x16xf32>,
      %parallel_loop3A_72 = vector.shape_cast %parallel_loop3A_71 : vector<1x16xf32> to vector<16xf32>
      %parallel_loop3A_73 = vector.shape_cast %broadcast_in_dim3A_1 : vector<16xf32> to vector<1x16xf32>
      tpu.vector_store %arg5[%parallel_loop3A_69, %parallel_loop3A_70], %parallel_loop3A_73 {strides = array<i32>} : memref<128x256xf32, #tpu.memory_space<vmem>>, vector<1x16xf32>,
      %parallel_loop3A_74 = arith.index_cast %parallel_loop3A_13 : i32 to index
      %parallel_loop3A_75 = arith.constant 192 : index
      %parallel_loop3A_76 = tpu.vector_load %arg5[%parallel_loop3A_74, %parallel_loop3A_75] {strides = array<i32>} : memref<128x256xf32, #tpu.memory_space<vmem>>, vector<1x16xf32>,
      %parallel_loop3A_77 = vector.shape_cast %parallel_loop3A_76 : vector<1x16xf32> to vector<16xf32>
      %parallel_loop3A_78 = vector.shape_cast %broadcast_in_dim3A_1 : vector<16xf32> to vector<1x16xf32>
      tpu.vector_store %arg5[%parallel_loop3A_74, %parallel_loop3A_75], %parallel_loop3A_78 {strides = array<i32>} : memref<128x256xf32, #tpu.memory_space<vmem>>, vector<1x16xf32>,
      %parallel_loop3A_79 = arith.index_cast %parallel_loop3A_13 : i32 to index
      %parallel_loop3A_80 = arith.constant 208 : index
      %parallel_loop3A_81 = tpu.vector_load %arg5[%parallel_loop3A_79, %parallel_loop3A_80] {strides = array<i32>} : memref<128x256xf32, #tpu.memory_space<vmem>>, vector<1x16xf32>,
      %parallel_loop3A_82 = vector.shape_cast %parallel_loop3A_81 : vector<1x16xf32> to vector<16xf32>
      %parallel_loop3A_83 = vector.shape_cast %broadcast_in_dim3A_1 : vector<16xf32> to vector<1x16xf32>
      tpu.vector_store %arg5[%parallel_loop3A_79, %parallel_loop3A_80], %parallel_loop3A_83 {strides = array<i32>} : memref<128x256xf32, #tpu.memory_space<vmem>>, vector<1x16xf32>,
      %parallel_loop3A_84 = arith.index_cast %parallel_loop3A_13 : i32 to index
      %parallel_loop3A_85 = arith.constant 224 : index
      %parallel_loop3A_86 = tpu.vector_load %arg5[%parallel_loop3A_84, %parallel_loop3A_85] {strides = array<i32>} : memref<128x256xf32, #tpu.memory_space<vmem>>, vector<1x16xf32>,
      %parallel_loop3A_87 = vector.shape_cast %parallel_loop3A_86 : vector<1x16xf32> to vector<16xf32>
      %parallel_loop3A_88 = vector.shape_cast %broadcast_in_dim3A_1 : vector<16xf32> to vector<1x16xf32>
      tpu.vector_store %arg5[%parallel_loop3A_84, %parallel_loop3A_85], %parallel_loop3A_88 {strides = array<i32>} : memref<128x256xf32, #tpu.memory_space<vmem>>, vector<1x16xf32>,
      %parallel_loop3A_89 = arith.index_cast %parallel_loop3A_13 : i32 to index
      %parallel_loop3A_90 = arith.constant 240 : index
      %parallel_loop3A_91 = tpu.vector_load %arg5[%parallel_loop3A_89, %parallel_loop3A_90] {strides = array<i32>} : memref<128x256xf32, #tpu.memory_space<vmem>>, vector<1x16xf32>,
      %parallel_loop3A_92 = vector.shape_cast %parallel_loop3A_91 : vector<1x16xf32> to vector<16xf32>
      %parallel_loop3A_93 = vector.shape_cast %broadcast_in_dim3A_1 : vector<16xf32> to vector<1x16xf32>
      tpu.vector_store %arg5[%parallel_loop3A_89, %parallel_loop3A_90], %parallel_loop3A_93 {strides = array<i32>} : memref<128x256xf32, #tpu.memory_space<vmem>>, vector<1x16xf32>,
    } {sc.loop_unroll_factor = 4 : i64, sc.parallel_access}
    %mul3A_4 = arith.constant 312 : i32
    %mul3A_5 = arith.muli %add3A, %mul3A_4 : i32
    "tpu.region"() ({
      %run_scoped3A = tpu.sem_alloc : memref<!tpu.dma_semaphore, #tpu.memory_space<semaphore_mem>>
      %dma_start3A = arith.constant 0 : i32
      %dma_start3A_13 = arith.constant 0 : i32
      %dma_start3A_14 = tpu.memref_slice %arg6[%dma_start3A, %dma_start3A_13] : memref<328x256xf32, #tpu.memory_space<vmem>> -> memref<312x256xf32, #tpu.memory_space<vmem>>
      %dma_start3A_15 = arith.constant 0 : i32
      %dma_start3A_16 = tpu.memref_slice %arg2[%mul3A_5, %dma_start3A_15] : memref<10000x256xf32, #tpu.memory_space<hbm>> -> memref<312x256xf32, #tpu.memory_space<hbm>>
      %dma_start3A_17 = arith.constant 0 : i32
      %dma_start3A_18 = arith.constant 0 : i32
      %dma_start3A_19 = tpu.memref_slice %arg6[%dma_start3A_17, %dma_start3A_18] : memref<328x256xf32, #tpu.memory_space<vmem>> -> memref<312x256xf32, #tpu.memory_space<vmem>>
      %dma_start3A_20 = arith.constant 0 : i32
      %dma_start3A_21 = tpu.memref_slice %arg2[%mul3A_5, %dma_start3A_20] : memref<10000x256xf32, #tpu.memory_space<hbm>> -> memref<312x256xf32, #tpu.memory_space<hbm>>
      tpu.enqueue_dma source(%dma_start3A_21 : memref<312x256xf32, #tpu.memory_space<hbm>>) target(%dma_start3A_19 : memref<312x256xf32, #tpu.memory_space<vmem>>) target_semaphore(%run_scoped3A : memref<!tpu.dma_semaphore, #tpu.memory_space<semaphore_mem>>)
      %dma_wait3A = arith.constant 0 : i32
      %dma_wait3A_22 = arith.constant 0 : i32
      %dma_wait3A_23 = tpu.memref_slice %arg6[%dma_wait3A, %dma_wait3A_22] : memref<328x256xf32, #tpu.memory_space<vmem>> -> memref<312x256xf32, #tpu.memory_space<vmem>>
      %dma_wait3A_24 = arith.constant 0 : i32
      %dma_wait3A_25 = tpu.memref_slice %arg2[%mul3A_5, %dma_wait3A_24] : memref<10000x256xf32, #tpu.memory_space<hbm>> -> memref<312x256xf32, #tpu.memory_space<hbm>>
      %dma_wait3A_26 = arith.constant 0 : i32
      %dma_wait3A_27 = arith.constant 0 : i32
      %dma_wait3A_28 = tpu.memref_slice %arg6[%dma_wait3A_26, %dma_wait3A_27] : memref<328x256xf32, #tpu.memory_space<vmem>> -> memref<312x256xf32, #tpu.memory_space<vmem>>
      %dma_wait3A_29 = arith.constant 0 : i32
      %dma_wait3A_30 = tpu.memref_slice %arg2[%mul3A_5, %dma_wait3A_29] : memref<10000x256xf32, #tpu.memory_space<hbm>> -> memref<312x256xf32, #tpu.memory_space<hbm>>
      tpu.wait_dma2 semaphore(%run_scoped3A : memref<!tpu.dma_semaphore, #tpu.memory_space<semaphore_mem>>) src(%dma_wait3A_30 : memref<312x256xf32, #tpu.memory_space<hbm>>) dst(%dma_wait3A_28 : memref<312x256xf32, #tpu.memory_space<vmem>>)
      tpu.yield
    }) : () -> ()
    "tpu.region"() ({
      %run_scoped3A = tpu.sem_alloc : memref<!tpu.dma_semaphore, #tpu.memory_space<semaphore_mem>>
      %dma_start3A = arith.constant 0 : i32
      %dma_start3A_13 = tpu.memref_slice %arg7[%dma_start3A] : memref<344xi32, #tpu.memory_space<vmem>> -> memref<312xi32, #tpu.memory_space<vmem>>
      %dma_start3A_14 = tpu.memref_slice %arg3[%mul3A_5] : memref<10000xi32, #tpu.memory_space<hbm>> -> memref<312xi32, #tpu.memory_space<hbm>>
      %dma_start3A_15 = arith.constant 0 : i32
      %dma_start3A_16 = tpu.memref_slice %arg7[%dma_start3A_15] : memref<344xi32, #tpu.memory_space<vmem>> -> memref<312xi32, #tpu.memory_space<vmem>>
      %dma_start3A_17 = tpu.memref_slice %arg3[%mul3A_5] : memref<10000xi32, #tpu.memory_space<hbm>> -> memref<312xi32, #tpu.memory_space<hbm>>
      tpu.enqueue_dma source(%dma_start3A_17 : memref<312xi32, #tpu.memory_space<hbm>>) target(%dma_start3A_16 : memref<312xi32, #tpu.memory_space<vmem>>) target_semaphore(%run_scoped3A : memref<!tpu.dma_semaphore, #tpu.memory_space<semaphore_mem>>)
      %dma_wait3A = arith.constant 0 : i32
      %dma_wait3A_18 = tpu.memref_slice %arg7[%dma_wait3A] : memref<344xi32, #tpu.memory_space<vmem>> -> memref<312xi32, #tpu.memory_space<vmem>>
      %dma_wait3A_19 = tpu.memref_slice %arg3[%mul3A_5] : memref<10000xi32, #tpu.memory_space<hbm>> -> memref<312xi32, #tpu.memory_space<hbm>>
      %dma_wait3A_20 = arith.constant 0 : i32
      %dma_wait3A_21 = tpu.memref_slice %arg7[%dma_wait3A_20] : memref<344xi32, #tpu.memory_space<vmem>> -> memref<312xi32, #tpu.memory_space<vmem>>
      %dma_wait3A_22 = tpu.memref_slice %arg3[%mul3A_5] : memref<10000xi32, #tpu.memory_space<hbm>> -> memref<312xi32, #tpu.memory_space<hbm>>
      tpu.wait_dma2 semaphore(%run_scoped3A : memref<!tpu.dma_semaphore, #tpu.memory_space<semaphore_mem>>) src(%dma_wait3A_22 : memref<312xi32, #tpu.memory_space<hbm>>) dst(%dma_wait3A_21 : memref<312xi32, #tpu.memory_space<vmem>>)
      tpu.yield
    }) : () -> ()
    %eq3A = arith.constant 0 : i32
    %eq3A_6 = arith.cmpi eq, %add3A, %eq3A : i32
    %convert_element_type3A = arith.extui %eq3A_6 : i1 to i32
    %cond3A = arith.constant 0 : i32
    %cond3A_7 = arith.cmpi ne, %convert_element_type3A, %cond3A : i32
    scf.if %cond3A_7 {
      "tpu.region"() ({
        %run_scoped3A = tpu.sem_alloc : memref<!tpu.dma_semaphore, #tpu.memory_space<semaphore_mem>>
        %dma_start3A = arith.constant 312 : i32
        %dma_start3A_13 = arith.constant 0 : i32
        %dma_start3A_14 = tpu.memref_slice %arg6[%dma_start3A, %dma_start3A_13] : memref<328x256xf32, #tpu.memory_space<vmem>> -> memref<16x256xf32, #tpu.memory_space<vmem>>
        %dma_start3A_15 = arith.constant 9984 : i32
        %dma_start3A_16 = arith.constant 0 : i32
        %dma_start3A_17 = tpu.memref_slice %arg2[%dma_start3A_15, %dma_start3A_16] : memref<10000x256xf32, #tpu.memory_space<hbm>> -> memref<16x256xf32, #tpu.memory_space<hbm>>
        %dma_start3A_18 = arith.constant 312 : i32
        %dma_start3A_19 = arith.constant 0 : i32
        %dma_start3A_20 = tpu.memref_slice %arg6[%dma_start3A_18, %dma_start3A_19] : memref<328x256xf32, #tpu.memory_space<vmem>> -> memref<16x256xf32, #tpu.memory_space<vmem>>
        %dma_start3A_21 = arith.constant 9984 : i32
        %dma_start3A_22 = arith.constant 0 : i32
        %dma_start3A_23 = tpu.memref_slice %arg2[%dma_start3A_21, %dma_start3A_22] : memref<10000x256xf32, #tpu.memory_space<hbm>> -> memref<16x256xf32, #tpu.memory_space<hbm>>
        tpu.enqueue_dma source(%dma_start3A_23 : memref<16x256xf32, #tpu.memory_space<hbm>>) target(%dma_start3A_20 : memref<16x256xf32, #tpu.memory_space<vmem>>) target_semaphore(%run_scoped3A : memref<!tpu.dma_semaphore, #tpu.memory_space<semaphore_mem>>)
        %dma_wait3A = arith.constant 312 : i32
        %dma_wait3A_24 = arith.constant 0 : i32
        %dma_wait3A_25 = tpu.memref_slice %arg6[%dma_wait3A, %dma_wait3A_24] : memref<328x256xf32, #tpu.memory_space<vmem>> -> memref<16x256xf32, #tpu.memory_space<vmem>>
        %dma_wait3A_26 = arith.constant 9984 : i32
        %dma_wait3A_27 = arith.constant 0 : i32
        %dma_wait3A_28 = tpu.memref_slice %arg2[%dma_wait3A_26, %dma_wait3A_27] : memref<10000x256xf32, #tpu.memory_space<hbm>> -> memref<16x256xf32, #tpu.memory_space<hbm>>
        %dma_wait3A_29 = arith.constant 312 : i32
        %dma_wait3A_30 = arith.constant 0 : i32
        %dma_wait3A_31 = tpu.memref_slice %arg6[%dma_wait3A_29, %dma_wait3A_30] : memref<328x256xf32, #tpu.memory_space<vmem>> -> memref<16x256xf32, #tpu.memory_space<vmem>>
        %dma_wait3A_32 = arith.constant 9984 : i32
        %dma_wait3A_33 = arith.constant 0 : i32
        %dma_wait3A_34 = tpu.memref_slice %arg2[%dma_wait3A_32, %dma_wait3A_33] : memref<10000x256xf32, #tpu.memory_space<hbm>> -> memref<16x256xf32, #tpu.memory_space<hbm>>
        tpu.wait_dma2 semaphore(%run_scoped3A : memref<!tpu.dma_semaphore, #tpu.memory_space<semaphore_mem>>) src(%dma_wait3A_34 : memref<16x256xf32, #tpu.memory_space<hbm>>) dst(%dma_wait3A_31 : memref<16x256xf32, #tpu.memory_space<vmem>>)
        tpu.yield
      }) : () -> ()
      "tpu.region"() ({
        %run_scoped3A = tpu.sem_alloc : memref<!tpu.dma_semaphore, #tpu.memory_space<semaphore_mem>>
        %dma_start3A = arith.constant 312 : i32
        %dma_start3A_13 = tpu.memref_slice %arg7[%dma_start3A] : memref<344xi32, #tpu.memory_space<vmem>> -> memref<16xi32, #tpu.memory_space<vmem>>
        %dma_start3A_14 = arith.constant 9984 : i32
        %dma_start3A_15 = tpu.memref_slice %arg3[%dma_start3A_14] : memref<10000xi32, #tpu.memory_space<hbm>> -> memref<16xi32, #tpu.memory_space<hbm>>
        %dma_start3A_16 = arith.constant 312 : i32
        %dma_start3A_17 = tpu.memref_slice %arg7[%dma_start3A_16] : memref<344xi32, #tpu.memory_space<vmem>> -> memref<16xi32, #tpu.memory_space<vmem>>
        %dma_start3A_18 = arith.constant 9984 : i32
        %dma_start3A_19 = tpu.memref_slice %arg3[%dma_start3A_18] : memref<10000xi32, #tpu.memory_space<hbm>> -> memref<16xi32, #tpu.memory_space<hbm>>
        tpu.enqueue_dma source(%dma_start3A_19 : memref<16xi32, #tpu.memory_space<hbm>>) target(%dma_start3A_17 : memref<16xi32, #tpu.memory_space<vmem>>) target_semaphore(%run_scoped3A : memref<!tpu.dma_semaphore, #tpu.memory_space<semaphore_mem>>)
        %dma_wait3A = arith.constant 312 : i32
        %dma_wait3A_20 = tpu.memref_slice %arg7[%dma_wait3A] : memref<344xi32, #tpu.memory_space<vmem>> -> memref<16xi32, #tpu.memory_space<vmem>>
        %dma_wait3A_21 = arith.constant 9984 : i32
        %dma_wait3A_22 = tpu.memref_slice %arg3[%dma_wait3A_21] : memref<10000xi32, #tpu.memory_space<hbm>> -> memref<16xi32, #tpu.memory_space<hbm>>
        %dma_wait3A_23 = arith.constant 312 : i32
        %dma_wait3A_24 = tpu.memref_slice %arg7[%dma_wait3A_23] : memref<344xi32, #tpu.memory_space<vmem>> -> memref<16xi32, #tpu.memory_space<vmem>>
        %dma_wait3A_25 = arith.constant 9984 : i32
        %dma_wait3A_26 = tpu.memref_slice %arg3[%dma_wait3A_25] : memref<10000xi32, #tpu.memory_space<hbm>> -> memref<16xi32, #tpu.memory_space<hbm>>
        tpu.wait_dma2 semaphore(%run_scoped3A : memref<!tpu.dma_semaphore, #tpu.memory_space<semaphore_mem>>) src(%dma_wait3A_26 : memref<16xi32, #tpu.memory_space<hbm>>) dst(%dma_wait3A_24 : memref<16xi32, #tpu.memory_space<vmem>>)
        tpu.yield
      }) : () -> ()
    } else {
    }
    %eq3A_8 = arith.constant 0 : i32
    %eq3A_9 = arith.cmpi eq, %add3A, %eq3A_8 : i32
    %jit3A = arith.constant 328 : i32
    %jit3A_10 = arith.constant 312 : i32
    %select_n3A = arith.select %eq3A_9, %jit3A, %jit3A_10 : i32
    %parallel_loop3A_11 = arith.constant 0 : i32
    %parallel_loop3A_12 = arith.constant 1 : i32
    scf.for %parallel_loop3A_13 = %parallel_loop3A_11 to %select_n3A step %parallel_loop3A_12  : i32 {
      %parallel_loop3A_14 = arith.index_cast %parallel_loop3A_13 : i32 to index
      %parallel_loop3A_15 = tpu.vector_load %arg7[%parallel_loop3A_14] {strides = array<i32>} : memref<344xi32, #tpu.memory_space<vmem>>, vector<16xi32>,
      %parallel_loop3A_16 = vector.shape_cast %parallel_loop3A_15 : vector<16xi32> to vector<16xi32>
      %parallel_loop3A_17 = vector.extract_strided_slice %parallel_loop3A_16 {offsets = [0], sizes = [1], strides = [1]} : vector<16xi32> to vector<1xi32>
      %parallel_loop3A_18 = vector.extract %parallel_loop3A_17[0] : i32 from vector<1xi32>
      %parallel_loop3A_19 = arith.index_cast %parallel_loop3A_13 : i32 to index
      %parallel_loop3A_20 = arith.constant 0 : index
      %parallel_loop3A_21 = tpu.vector_load %arg6[%parallel_loop3A_19, %parallel_loop3A_20] {strides = array<i32>} : memref<328x256xf32, #tpu.memory_space<vmem>>, vector<1x16xf32>,
      %parallel_loop3A_22 = vector.shape_cast %parallel_loop3A_21 : vector<1x16xf32> to vector<16xf32>
      %parallel_loop3A_23 = arith.index_cast %parallel_loop3A_18 : i32 to index
      %parallel_loop3A_24 = arith.constant 0 : index
      %parallel_loop3A_25 = tpu.vector_load %arg5[%parallel_loop3A_23, %parallel_loop3A_24] {strides = array<i32>} : memref<128x256xf32, #tpu.memory_space<vmem>>, vector<1x16xf32>,
      %parallel_loop3A_26 = vector.shape_cast %parallel_loop3A_25 : vector<1x16xf32> to vector<16xf32>
      %parallel_loop3A_27 = vector.shape_cast %parallel_loop3A_22 : vector<16xf32> to vector<1x16xf32>
      tpu.vector_store %arg5[%parallel_loop3A_23, %parallel_loop3A_24], %parallel_loop3A_27 {add = true, strides = array<i32>} : memref<128x256xf32, #tpu.memory_space<vmem>>, vector<1x16xf32>,
      %parallel_loop3A_28 = arith.index_cast %parallel_loop3A_13 : i32 to index
      %parallel_loop3A_29 = arith.constant 16 : index
      %parallel_loop3A_30 = tpu.vector_load %arg6[%parallel_loop3A_28, %parallel_loop3A_29] {strides = array<i32>} : memref<328x256xf32, #tpu.memory_space<vmem>>, vector<1x16xf32>,
      %parallel_loop3A_31 = vector.shape_cast %parallel_loop3A_30 : vector<1x16xf32> to vector<16xf32>
      %parallel_loop3A_32 = arith.index_cast %parallel_loop3A_18 : i32 to index
      %parallel_loop3A_33 = arith.constant 16 : index
      %parallel_loop3A_34 = tpu.vector_load %arg5[%parallel_loop3A_32, %parallel_loop3A_33] {strides = array<i32>} : memref<128x256xf32, #tpu.memory_space<vmem>>, vector<1x16xf32>,
      %parallel_loop3A_35 = vector.shape_cast %parallel_loop3A_34 : vector<1x16xf32> to vector<16xf32>
      %parallel_loop3A_36 = vector.shape_cast %parallel_loop3A_31 : vector<16xf32> to vector<1x16xf32>
      tpu.vector_store %arg5[%parallel_loop3A_32, %parallel_loop3A_33], %parallel_loop3A_36 {add = true, strides = array<i32>} : memref<128x256xf32, #tpu.memory_space<vmem>>, vector<1x16xf32>,
      %parallel_loop3A_37 = arith.index_cast %parallel_loop3A_13 : i32 to index
      %parallel_loop3A_38 = arith.constant 32 : index
      %parallel_loop3A_39 = tpu.vector_load %arg6[%parallel_loop3A_37, %parallel_loop3A_38] {strides = array<i32>} : memref<328x256xf32, #tpu.memory_space<vmem>>, vector<1x16xf32>,
      %parallel_loop3A_40 = vector.shape_cast %parallel_loop3A_39 : vector<1x16xf32> to vector<16xf32>
      %parallel_loop3A_41 = arith.index_cast %parallel_loop3A_18 : i32 to index
      %parallel_loop3A_42 = arith.constant 32 : index
      %parallel_loop3A_43 = tpu.vector_load %arg5[%parallel_loop3A_41, %parallel_loop3A_42] {strides = array<i32>} : memref<128x256xf32, #tpu.memory_space<vmem>>, vector<1x16xf32>,
      %parallel_loop3A_44 = vector.shape_cast %parallel_loop3A_43 : vector<1x16xf32> to vector<16xf32>
      %parallel_loop3A_45 = vector.shape_cast %parallel_loop3A_40 : vector<16xf32> to vector<1x16xf32>
      tpu.vector_store %arg5[%parallel_loop3A_41, %parallel_loop3A_42], %parallel_loop3A_45 {add = true, strides = array<i32>} : memref<128x256xf32, #tpu.memory_space<vmem>>, vector<1x16xf32>,
      %parallel_loop3A_46 = arith.index_cast %parallel_loop3A_13 : i32 to index
      %parallel_loop3A_47 = arith.constant 48 : index
      %parallel_loop3A_48 = tpu.vector_load %arg6[%parallel_loop3A_46, %parallel_loop3A_47] {strides = array<i32>} : memref<328x256xf32, #tpu.memory_space<vmem>>, vector<1x16xf32>,
      %parallel_loop3A_49 = vector.shape_cast %parallel_loop3A_48 : vector<1x16xf32> to vector<16xf32>
      %parallel_loop3A_50 = arith.index_cast %parallel_loop3A_18 : i32 to index
      %parallel_loop3A_51 = arith.constant 48 : index
      %parallel_loop3A_52 = tpu.vector_load %arg5[%parallel_loop3A_50, %parallel_loop3A_51] {strides = array<i32>} : memref<128x256xf32, #tpu.memory_space<vmem>>, vector<1x16xf32>,
      %parallel_loop3A_53 = vector.shape_cast %parallel_loop3A_52 : vector<1x16xf32> to vector<16xf32>
      %parallel_loop3A_54 = vector.shape_cast %parallel_loop3A_49 : vector<16xf32> to vector<1x16xf32>
      tpu.vector_store %arg5[%parallel_loop3A_50, %parallel_loop3A_51], %parallel_loop3A_54 {add = true, strides = array<i32>} : memref<128x256xf32, #tpu.memory_space<vmem>>, vector<1x16xf32>,
      %parallel_loop3A_55 = arith.index_cast %parallel_loop3A_13 : i32 to index
      %parallel_loop3A_56 = arith.constant 64 : index
      %parallel_loop3A_57 = tpu.vector_load %arg6[%parallel_loop3A_55, %parallel_loop3A_56] {strides = array<i32>} : memref<328x256xf32, #tpu.memory_space<vmem>>, vector<1x16xf32>,
      %parallel_loop3A_58 = vector.shape_cast %parallel_loop3A_57 : vector<1x16xf32> to vector<16xf32>
      %parallel_loop3A_59 = arith.index_cast %parallel_loop3A_18 : i32 to index
      %parallel_loop3A_60 = arith.constant 64 : index
      %parallel_loop3A_61 = tpu.vector_load %arg5[%parallel_loop3A_59, %parallel_loop3A_60] {strides = array<i32>} : memref<128x256xf32, #tpu.memory_space<vmem>>, vector<1x16xf32>,
      %parallel_loop3A_62 = vector.shape_cast %parallel_loop3A_61 : vector<1x16xf32> to vector<16xf32>
      %parallel_loop3A_63 = vector.shape_cast %parallel_loop3A_58 : vector<16xf32> to vector<1x16xf32>
      tpu.vector_store %arg5[%parallel_loop3A_59, %parallel_loop3A_60], %parallel_loop3A_63 {add = true, strides = array<i32>} : memref<128x256xf32, #tpu.memory_space<vmem>>, vector<1x16xf32>,
      %parallel_loop3A_64 = arith.index_cast %parallel_loop3A_13 : i32 to index
      %parallel_loop3A_65 = arith.constant 80 : index
      %parallel_loop3A_66 = tpu.vector_load %arg6[%parallel_loop3A_64, %parallel_loop3A_65] {strides = array<i32>} : memref<328x256xf32, #tpu.memory_space<vmem>>, vector<1x16xf32>,
      %parallel_loop3A_67 = vector.shape_cast %parallel_loop3A_66 : vector<1x16xf32> to vector<16xf32>
      %parallel_loop3A_68 = arith.index_cast %parallel_loop3A_18 : i32 to index
      %parallel_loop3A_69 = arith.constant 80 : index
      %parallel_loop3A_70 = tpu.vector_load %arg5[%parallel_loop3A_68, %parallel_loop3A_69] {strides = array<i32>} : memref<128x256xf32, #tpu.memory_space<vmem>>, vector<1x16xf32>,
      %parallel_loop3A_71 = vector.shape_cast %parallel_loop3A_70 : vector<1x16xf32> to vector<16xf32>
      %parallel_loop3A_72 = vector.shape_cast %parallel_loop3A_67 : vector<16xf32> to vector<1x16xf32>
      tpu.vector_store %arg5[%parallel_loop3A_68, %parallel_loop3A_69], %parallel_loop3A_72 {add = true, strides = array<i32>} : memref<128x256xf32, #tpu.memory_space<vmem>>, vector<1x16xf32>,
      %parallel_loop3A_73 = arith.index_cast %parallel_loop3A_13 : i32 to index
      %parallel_loop3A_74 = arith.constant 96 : index
      %parallel_loop3A_75 = tpu.vector_load %arg6[%parallel_loop3A_73, %parallel_loop3A_74] {strides = array<i32>} : memref<328x256xf32, #tpu.memory_space<vmem>>, vector<1x16xf32>,
      %parallel_loop3A_76 = vector.shape_cast %parallel_loop3A_75 : vector<1x16xf32> to vector<16xf32>
      %parallel_loop3A_77 = arith.index_cast %parallel_loop3A_18 : i32 to index
      %parallel_loop3A_78 = arith.constant 96 : index
      %parallel_loop3A_79 = tpu.vector_load %arg5[%parallel_loop3A_77, %parallel_loop3A_78] {strides = array<i32>} : memref<128x256xf32, #tpu.memory_space<vmem>>, vector<1x16xf32>,
      %parallel_loop3A_80 = vector.shape_cast %parallel_loop3A_79 : vector<1x16xf32> to vector<16xf32>
      %parallel_loop3A_81 = vector.shape_cast %parallel_loop3A_76 : vector<16xf32> to vector<1x16xf32>
      tpu.vector_store %arg5[%parallel_loop3A_77, %parallel_loop3A_78], %parallel_loop3A_81 {add = true, strides = array<i32>} : memref<128x256xf32, #tpu.memory_space<vmem>>, vector<1x16xf32>,
      %parallel_loop3A_82 = arith.index_cast %parallel_loop3A_13 : i32 to index
      %parallel_loop3A_83 = arith.constant 112 : index
      %parallel_loop3A_84 = tpu.vector_load %arg6[%parallel_loop3A_82, %parallel_loop3A_83] {strides = array<i32>} : memref<328x256xf32, #tpu.memory_space<vmem>>, vector<1x16xf32>,
      %parallel_loop3A_85 = vector.shape_cast %parallel_loop3A_84 : vector<1x16xf32> to vector<16xf32>
      %parallel_loop3A_86 = arith.index_cast %parallel_loop3A_18 : i32 to index
      %parallel_loop3A_87 = arith.constant 112 : index
      %parallel_loop3A_88 = tpu.vector_load %arg5[%parallel_loop3A_86, %parallel_loop3A_87] {strides = array<i32>} : memref<128x256xf32, #tpu.memory_space<vmem>>, vector<1x16xf32>,
      %parallel_loop3A_89 = vector.shape_cast %parallel_loop3A_88 : vector<1x16xf32> to vector<16xf32>
      %parallel_loop3A_90 = vector.shape_cast %parallel_loop3A_85 : vector<16xf32> to vector<1x16xf32>
      tpu.vector_store %arg5[%parallel_loop3A_86, %parallel_loop3A_87], %parallel_loop3A_90 {add = true, strides = array<i32>} : memref<128x256xf32, #tpu.memory_space<vmem>>, vector<1x16xf32>,
      %parallel_loop3A_91 = arith.index_cast %parallel_loop3A_13 : i32 to index
      %parallel_loop3A_92 = arith.constant 128 : index
      %parallel_loop3A_93 = tpu.vector_load %arg6[%parallel_loop3A_91, %parallel_loop3A_92] {strides = array<i32>} : memref<328x256xf32, #tpu.memory_space<vmem>>, vector<1x16xf32>,
      %parallel_loop3A_94 = vector.shape_cast %parallel_loop3A_93 : vector<1x16xf32> to vector<16xf32>
      %parallel_loop3A_95 = arith.index_cast %parallel_loop3A_18 : i32 to index
      %parallel_loop3A_96 = arith.constant 128 : index
      %parallel_loop3A_97 = tpu.vector_load %arg5[%parallel_loop3A_95, %parallel_loop3A_96] {strides = array<i32>} : memref<128x256xf32, #tpu.memory_space<vmem>>, vector<1x16xf32>,
      %parallel_loop3A_98 = vector.shape_cast %parallel_loop3A_97 : vector<1x16xf32> to vector<16xf32>
      %parallel_loop3A_99 = vector.shape_cast %parallel_loop3A_94 : vector<16xf32> to vector<1x16xf32>
      tpu.vector_store %arg5[%parallel_loop3A_95, %parallel_loop3A_96], %parallel_loop3A_99 {add = true, strides = array<i32>} : memref<128x256xf32, #tpu.memory_space<vmem>>, vector<1x16xf32>,
      %parallel_loop3A_100 = arith.index_cast %parallel_loop3A_13 : i32 to index
      %parallel_loop3A_101 = arith.constant 144 : index
      %parallel_loop3A_102 = tpu.vector_load %arg6[%parallel_loop3A_100, %parallel_loop3A_101] {strides = array<i32>} : memref<328x256xf32, #tpu.memory_space<vmem>>, vector<1x16xf32>,
      %parallel_loop3A_103 = vector.shape_cast %parallel_loop3A_102 : vector<1x16xf32> to vector<16xf32>
      %parallel_loop3A_104 = arith.index_cast %parallel_loop3A_18 : i32 to index
      %parallel_loop3A_105 = arith.constant 144 : index
      %parallel_loop3A_106 = tpu.vector_load %arg5[%parallel_loop3A_104, %parallel_loop3A_105] {strides = array<i32>} : memref<128x256xf32, #tpu.memory_space<vmem>>, vector<1x16xf32>,
      %parallel_loop3A_107 = vector.shape_cast %parallel_loop3A_106 : vector<1x16xf32> to vector<16xf32>
      %parallel_loop3A_108 = vector.shape_cast %parallel_loop3A_103 : vector<16xf32> to vector<1x16xf32>
      tpu.vector_store %arg5[%parallel_loop3A_104, %parallel_loop3A_105], %parallel_loop3A_108 {add = true, strides = array<i32>} : memref<128x256xf32, #tpu.memory_space<vmem>>, vector<1x16xf32>,
      %parallel_loop3A_109 = arith.index_cast %parallel_loop3A_13 : i32 to index
      %parallel_loop3A_110 = arith.constant 160 : index
      %parallel_loop3A_111 = tpu.vector_load %arg6[%parallel_loop3A_109, %parallel_loop3A_110] {strides = array<i32>} : memref<328x256xf32, #tpu.memory_space<vmem>>, vector<1x16xf32>,
      %parallel_loop3A_112 = vector.shape_cast %parallel_loop3A_111 : vector<1x16xf32> to vector<16xf32>
      %parallel_loop3A_113 = arith.index_cast %parallel_loop3A_18 : i32 to index
      %parallel_loop3A_114 = arith.constant 160 : index
      %parallel_loop3A_115 = tpu.vector_load %arg5[%parallel_loop3A_113, %parallel_loop3A_114] {strides = array<i32>} : memref<128x256xf32, #tpu.memory_space<vmem>>, vector<1x16xf32>,
      %parallel_loop3A_116 = vector.shape_cast %parallel_loop3A_115 : vector<1x16xf32> to vector<16xf32>
      %parallel_loop3A_117 = vector.shape_cast %parallel_loop3A_112 : vector<16xf32> to vector<1x16xf32>
      tpu.vector_store %arg5[%parallel_loop3A_113, %parallel_loop3A_114], %parallel_loop3A_117 {add = true, strides = array<i32>} : memref<128x256xf32, #tpu.memory_space<vmem>>, vector<1x16xf32>,
      %parallel_loop3A_118 = arith.index_cast %parallel_loop3A_13 : i32 to index
      %parallel_loop3A_119 = arith.constant 176 : index
      %parallel_loop3A_120 = tpu.vector_load %arg6[%parallel_loop3A_118, %parallel_loop3A_119] {strides = array<i32>} : memref<328x256xf32, #tpu.memory_space<vmem>>, vector<1x16xf32>,
      %parallel_loop3A_121 = vector.shape_cast %parallel_loop3A_120 : vector<1x16xf32> to vector<16xf32>
      %parallel_loop3A_122 = arith.index_cast %parallel_loop3A_18 : i32 to index
      %parallel_loop3A_123 = arith.constant 176 : index
      %parallel_loop3A_124 = tpu.vector_load %arg5[%parallel_loop3A_122, %parallel_loop3A_123] {strides = array<i32>} : memref<128x256xf32, #tpu.memory_space<vmem>>, vector<1x16xf32>,
      %parallel_loop3A_125 = vector.shape_cast %parallel_loop3A_124 : vector<1x16xf32> to vector<16xf32>
      %parallel_loop3A_126 = vector.shape_cast %parallel_loop3A_121 : vector<16xf32> to vector<1x16xf32>
      tpu.vector_store %arg5[%parallel_loop3A_122, %parallel_loop3A_123], %parallel_loop3A_126 {add = true, strides = array<i32>} : memref<128x256xf32, #tpu.memory_space<vmem>>, vector<1x16xf32>,
      %parallel_loop3A_127 = arith.index_cast %parallel_loop3A_13 : i32 to index
      %parallel_loop3A_128 = arith.constant 192 : index
      %parallel_loop3A_129 = tpu.vector_load %arg6[%parallel_loop3A_127, %parallel_loop3A_128] {strides = array<i32>} : memref<328x256xf32, #tpu.memory_space<vmem>>, vector<1x16xf32>,
      %parallel_loop3A_130 = vector.shape_cast %parallel_loop3A_129 : vector<1x16xf32> to vector<16xf32>
      %parallel_loop3A_131 = arith.index_cast %parallel_loop3A_18 : i32 to index
      %parallel_loop3A_132 = arith.constant 192 : index
      %parallel_loop3A_133 = tpu.vector_load %arg5[%parallel_loop3A_131, %parallel_loop3A_132] {strides = array<i32>} : memref<128x256xf32, #tpu.memory_space<vmem>>, vector<1x16xf32>,
      %parallel_loop3A_134 = vector.shape_cast %parallel_loop3A_133 : vector<1x16xf32> to vector<16xf32>
      %parallel_loop3A_135 = vector.shape_cast %parallel_loop3A_130 : vector<16xf32> to vector<1x16xf32>
      tpu.vector_store %arg5[%parallel_loop3A_131, %parallel_loop3A_132], %parallel_loop3A_135 {add = true, strides = array<i32>} : memref<128x256xf32, #tpu.memory_space<vmem>>, vector<1x16xf32>,
      %parallel_loop3A_136 = arith.index_cast %parallel_loop3A_13 : i32 to index
      %parallel_loop3A_137 = arith.constant 208 : index
      %parallel_loop3A_138 = tpu.vector_load %arg6[%parallel_loop3A_136, %parallel_loop3A_137] {strides = array<i32>} : memref<328x256xf32, #tpu.memory_space<vmem>>, vector<1x16xf32>,
      %parallel_loop3A_139 = vector.shape_cast %parallel_loop3A_138 : vector<1x16xf32> to vector<16xf32>
      %parallel_loop3A_140 = arith.index_cast %parallel_loop3A_18 : i32 to index
      %parallel_loop3A_141 = arith.constant 208 : index
      %parallel_loop3A_142 = tpu.vector_load %arg5[%parallel_loop3A_140, %parallel_loop3A_141] {strides = array<i32>} : memref<128x256xf32, #tpu.memory_space<vmem>>, vector<1x16xf32>,
      %parallel_loop3A_143 = vector.shape_cast %parallel_loop3A_142 : vector<1x16xf32> to vector<16xf32>
      %parallel_loop3A_144 = vector.shape_cast %parallel_loop3A_139 : vector<16xf32> to vector<1x16xf32>
      tpu.vector_store %arg5[%parallel_loop3A_140, %parallel_loop3A_141], %parallel_loop3A_144 {add = true, strides = array<i32>} : memref<128x256xf32, #tpu.memory_space<vmem>>, vector<1x16xf32>,
      %parallel_loop3A_145 = arith.index_cast %parallel_loop3A_13 : i32 to index
      %parallel_loop3A_146 = arith.constant 224 : index
      %parallel_loop3A_147 = tpu.vector_load %arg6[%parallel_loop3A_145, %parallel_loop3A_146] {strides = array<i32>} : memref<328x256xf32, #tpu.memory_space<vmem>>, vector<1x16xf32>,
      %parallel_loop3A_148 = vector.shape_cast %parallel_loop3A_147 : vector<1x16xf32> to vector<16xf32>
      %parallel_loop3A_149 = arith.index_cast %parallel_loop3A_18 : i32 to index
      %parallel_loop3A_150 = arith.constant 224 : index
      %parallel_loop3A_151 = tpu.vector_load %arg5[%parallel_loop3A_149, %parallel_loop3A_150] {strides = array<i32>} : memref<128x256xf32, #tpu.memory_space<vmem>>, vector<1x16xf32>,
      %parallel_loop3A_152 = vector.shape_cast %parallel_loop3A_151 : vector<1x16xf32> to vector<16xf32>
      %parallel_loop3A_153 = vector.shape_cast %parallel_loop3A_148 : vector<16xf32> to vector<1x16xf32>
      tpu.vector_store %arg5[%parallel_loop3A_149, %parallel_loop3A_150], %parallel_loop3A_153 {add = true, strides = array<i32>} : memref<128x256xf32, #tpu.memory_space<vmem>>, vector<1x16xf32>,
      %parallel_loop3A_154 = arith.index_cast %parallel_loop3A_13 : i32 to index
      %parallel_loop3A_155 = arith.constant 240 : index
      %parallel_loop3A_156 = tpu.vector_load %arg6[%parallel_loop3A_154, %parallel_loop3A_155] {strides = array<i32>} : memref<328x256xf32, #tpu.memory_space<vmem>>, vector<1x16xf32>,
      %parallel_loop3A_157 = vector.shape_cast %parallel_loop3A_156 : vector<1x16xf32> to vector<16xf32>
      %parallel_loop3A_158 = arith.index_cast %parallel_loop3A_18 : i32 to index
      %parallel_loop3A_159 = arith.constant 240 : index
      %parallel_loop3A_160 = tpu.vector_load %arg5[%parallel_loop3A_158, %parallel_loop3A_159] {strides = array<i32>} : memref<128x256xf32, #tpu.memory_space<vmem>>, vector<1x16xf32>,
      %parallel_loop3A_161 = vector.shape_cast %parallel_loop3A_160 : vector<1x16xf32> to vector<16xf32>
      %parallel_loop3A_162 = vector.shape_cast %parallel_loop3A_157 : vector<16xf32> to vector<1x16xf32>
      tpu.vector_store %arg5[%parallel_loop3A_158, %parallel_loop3A_159], %parallel_loop3A_162 {add = true, strides = array<i32>} : memref<128x256xf32, #tpu.memory_space<vmem>>, vector<1x16xf32>,
    } {sc.loop_unroll_factor = 4 : i64, sc.parallel_access}
    "tpu.region"() ({
      %run_scoped3A = tpu.sem_alloc : memref<!tpu.dma_semaphore, #tpu.memory_space<semaphore_mem>>
      %dma_start3A = arith.constant 0 : i32
      %dma_start3A_13 = arith.constant 0 : i32
      %dma_start3A_14 = tpu.memref_slice %arg4[%add3A, %dma_start3A, %dma_start3A_13] : memref<32x128x256xf32, #tpu.memory_space<hbm>> -> memref<1x128x256xf32, #tpu.memory_space<hbm>>
      %dma_start3A_15 = tpu.memref_squeeze %dma_start3A_14 : memref<1x128x256xf32, #tpu.memory_space<hbm>> -> memref<128x256xf32, #tpu.memory_space<hbm>>
      %dma_start3A_16 = arith.constant 0 : i32
      %dma_start3A_17 = arith.constant 0 : i32
      %dma_start3A_18 = tpu.memref_slice %arg4[%add3A, %dma_start3A_16, %dma_start3A_17] : memref<32x128x256xf32, #tpu.memory_space<hbm>> -> memref<1x128x256xf32, #tpu.memory_space<hbm>>
      %dma_start3A_19 = tpu.memref_squeeze %dma_start3A_18 : memref<1x128x256xf32, #tpu.memory_space<hbm>> -> memref<128x256xf32, #tpu.memory_space<hbm>>
      tpu.enqueue_dma source(%arg5 : memref<128x256xf32, #tpu.memory_space<vmem>>) target(%dma_start3A_19 : memref<128x256xf32, #tpu.memory_space<hbm>>) target_semaphore(%run_scoped3A : memref<!tpu.dma_semaphore, #tpu.memory_space<semaphore_mem>>)
      %dma_wait3A = arith.constant 0 : i32
      %dma_wait3A_20 = arith.constant 0 : i32
      %dma_wait3A_21 = tpu.memref_slice %arg4[%add3A, %dma_wait3A, %dma_wait3A_20] : memref<32x128x256xf32, #tpu.memory_space<hbm>> -> memref<1x128x256xf32, #tpu.memory_space<hbm>>
      %dma_wait3A_22 = tpu.memref_squeeze %dma_wait3A_21 : memref<1x128x256xf32, #tpu.memory_space<hbm>> -> memref<128x256xf32, #tpu.memory_space<hbm>>
      %dma_wait3A_23 = arith.constant 0 : i32
      %dma_wait3A_24 = arith.constant 0 : i32
      %dma_wait3A_25 = tpu.memref_slice %arg4[%add3A, %dma_wait3A_23, %dma_wait3A_24] : memref<32x128x256xf32, #tpu.memory_space<hbm>> -> memref<1x128x256xf32, #tpu.memory_space<hbm>>
      %dma_wait3A_26 = tpu.memref_squeeze %dma_wait3A_25 : memref<1x128x256xf32, #tpu.memory_space<hbm>> -> memref<128x256xf32, #tpu.memory_space<hbm>>
      tpu.wait_dma2 semaphore(%run_scoped3A : memref<!tpu.dma_semaphore, #tpu.memory_space<semaphore_mem>>) src(%arg5 : memref<128x256xf32, #tpu.memory_space<vmem>>) dst(%dma_wait3A_26 : memref<128x256xf32, #tpu.memory_space<hbm>>)
      tpu.yield
    }) : () -> ()
    return
  }
}

module attributes {stable_mosaic.version = 14 : i64} {
  func.func @_mlp_kernel(%arg0: memref<32x128x256xf32, #tpu.memory_space<vmem>>, %arg1: memref<1x10000xi32, #tpu.memory_space<vmem>>, %arg2: memref<128x128xf32, #tpu.memory_space<vmem>>, %arg3: memref<512x384xf32, #tpu.memory_space<vmem>>, %arg4: memref<1x512xf32, #tpu.memory_space<vmem>>, %arg5: memref<256x512xf32, #tpu.memory_space<vmem>>, %arg6: memref<1x256xf32, #tpu.memory_space<vmem>>, %arg7: memref<128x256xf32, #tpu.memory_space<vmem>>) attributes {dimension_semantics = [], scalar_prefetch = 0 : i64, scratch_operands = 0 : i64, tpu.core_type = #tpu.core_type<tc>} {
    %get3A = arith.constant 0 : index
    %get3A_0 = arith.constant 0 : index
    %get3A_1 = arith.constant 0 : index
    %get3A_2 = vector.load %arg0[%get3A, %get3A_0, %get3A_1] : memref<32x128x256xf32, #tpu.memory_space<vmem>>, vector<1x128x256xf32>
    %get3A_3 = vector.shape_cast %get3A_2 : vector<1x128x256xf32> to vector<128x256xf32>
    %get3A_4 = arith.constant 1 : index
    %get3A_5 = arith.constant 0 : index
    %get3A_6 = arith.constant 0 : index
    %get3A_7 = vector.load %arg0[%get3A_4, %get3A_5, %get3A_6] : memref<32x128x256xf32, #tpu.memory_space<vmem>>, vector<1x128x256xf32>
    %get3A_8 = vector.shape_cast %get3A_7 : vector<1x128x256xf32> to vector<128x256xf32>
    %add3A = arith.addf %get3A_3, %get3A_8 : vector<128x256xf32>
    %get3A_9 = arith.constant 2 : index
    %get3A_10 = arith.constant 0 : index
    %get3A_11 = arith.constant 0 : index
    %get3A_12 = vector.load %arg0[%get3A_9, %get3A_10, %get3A_11] : memref<32x128x256xf32, #tpu.memory_space<vmem>>, vector<1x128x256xf32>
    %get3A_13 = vector.shape_cast %get3A_12 : vector<1x128x256xf32> to vector<128x256xf32>
    %add3A_14 = arith.addf %add3A, %get3A_13 : vector<128x256xf32>
    %get3A_15 = arith.constant 3 : index
    %get3A_16 = arith.constant 0 : index
    %get3A_17 = arith.constant 0 : index
    %get3A_18 = vector.load %arg0[%get3A_15, %get3A_16, %get3A_17] : memref<32x128x256xf32, #tpu.memory_space<vmem>>, vector<1x128x256xf32>
    %get3A_19 = vector.shape_cast %get3A_18 : vector<1x128x256xf32> to vector<128x256xf32>
    %add3A_20 = arith.addf %add3A_14, %get3A_19 : vector<128x256xf32>
    %get3A_21 = arith.constant 4 : index
    %get3A_22 = arith.constant 0 : index
    %get3A_23 = arith.constant 0 : index
    %get3A_24 = vector.load %arg0[%get3A_21, %get3A_22, %get3A_23] : memref<32x128x256xf32, #tpu.memory_space<vmem>>, vector<1x128x256xf32>
    %get3A_25 = vector.shape_cast %get3A_24 : vector<1x128x256xf32> to vector<128x256xf32>
    %add3A_26 = arith.addf %add3A_20, %get3A_25 : vector<128x256xf32>
    %get3A_27 = arith.constant 5 : index
    %get3A_28 = arith.constant 0 : index
    %get3A_29 = arith.constant 0 : index
    %get3A_30 = vector.load %arg0[%get3A_27, %get3A_28, %get3A_29] : memref<32x128x256xf32, #tpu.memory_space<vmem>>, vector<1x128x256xf32>
    %get3A_31 = vector.shape_cast %get3A_30 : vector<1x128x256xf32> to vector<128x256xf32>
    %add3A_32 = arith.addf %add3A_26, %get3A_31 : vector<128x256xf32>
    %get3A_33 = arith.constant 6 : index
    %get3A_34 = arith.constant 0 : index
    %get3A_35 = arith.constant 0 : index
    %get3A_36 = vector.load %arg0[%get3A_33, %get3A_34, %get3A_35] : memref<32x128x256xf32, #tpu.memory_space<vmem>>, vector<1x128x256xf32>
    %get3A_37 = vector.shape_cast %get3A_36 : vector<1x128x256xf32> to vector<128x256xf32>
    %add3A_38 = arith.addf %add3A_32, %get3A_37 : vector<128x256xf32>
    %get3A_39 = arith.constant 7 : index
    %get3A_40 = arith.constant 0 : index
    %get3A_41 = arith.constant 0 : index
    %get3A_42 = vector.load %arg0[%get3A_39, %get3A_40, %get3A_41] : memref<32x128x256xf32, #tpu.memory_space<vmem>>, vector<1x128x256xf32>
    %get3A_43 = vector.shape_cast %get3A_42 : vector<1x128x256xf32> to vector<128x256xf32>
    %add3A_44 = arith.addf %add3A_38, %get3A_43 : vector<128x256xf32>
    %get3A_45 = arith.constant 8 : index
    %get3A_46 = arith.constant 0 : index
    %get3A_47 = arith.constant 0 : index
    %get3A_48 = vector.load %arg0[%get3A_45, %get3A_46, %get3A_47] : memref<32x128x256xf32, #tpu.memory_space<vmem>>, vector<1x128x256xf32>
    %get3A_49 = vector.shape_cast %get3A_48 : vector<1x128x256xf32> to vector<128x256xf32>
    %add3A_50 = arith.addf %add3A_44, %get3A_49 : vector<128x256xf32>
    %get3A_51 = arith.constant 9 : index
    %get3A_52 = arith.constant 0 : index
    %get3A_53 = arith.constant 0 : index
    %get3A_54 = vector.load %arg0[%get3A_51, %get3A_52, %get3A_53] : memref<32x128x256xf32, #tpu.memory_space<vmem>>, vector<1x128x256xf32>
    %get3A_55 = vector.shape_cast %get3A_54 : vector<1x128x256xf32> to vector<128x256xf32>
    %add3A_56 = arith.addf %add3A_50, %get3A_55 : vector<128x256xf32>
    %get3A_57 = arith.constant 10 : index
    %get3A_58 = arith.constant 0 : index
    %get3A_59 = arith.constant 0 : index
    %get3A_60 = vector.load %arg0[%get3A_57, %get3A_58, %get3A_59] : memref<32x128x256xf32, #tpu.memory_space<vmem>>, vector<1x128x256xf32>
    %get3A_61 = vector.shape_cast %get3A_60 : vector<1x128x256xf32> to vector<128x256xf32>
    %add3A_62 = arith.addf %add3A_56, %get3A_61 : vector<128x256xf32>
    %get3A_63 = arith.constant 11 : index
    %get3A_64 = arith.constant 0 : index
    %get3A_65 = arith.constant 0 : index
    %get3A_66 = vector.load %arg0[%get3A_63, %get3A_64, %get3A_65] : memref<32x128x256xf32, #tpu.memory_space<vmem>>, vector<1x128x256xf32>
    %get3A_67 = vector.shape_cast %get3A_66 : vector<1x128x256xf32> to vector<128x256xf32>
    %add3A_68 = arith.addf %add3A_62, %get3A_67 : vector<128x256xf32>
    %get3A_69 = arith.constant 12 : index
    %get3A_70 = arith.constant 0 : index
    %get3A_71 = arith.constant 0 : index
    %get3A_72 = vector.load %arg0[%get3A_69, %get3A_70, %get3A_71] : memref<32x128x256xf32, #tpu.memory_space<vmem>>, vector<1x128x256xf32>
    %get3A_73 = vector.shape_cast %get3A_72 : vector<1x128x256xf32> to vector<128x256xf32>
    %add3A_74 = arith.addf %add3A_68, %get3A_73 : vector<128x256xf32>
    %get3A_75 = arith.constant 13 : index
    %get3A_76 = arith.constant 0 : index
    %get3A_77 = arith.constant 0 : index
    %get3A_78 = vector.load %arg0[%get3A_75, %get3A_76, %get3A_77] : memref<32x128x256xf32, #tpu.memory_space<vmem>>, vector<1x128x256xf32>
    %get3A_79 = vector.shape_cast %get3A_78 : vector<1x128x256xf32> to vector<128x256xf32>
    %add3A_80 = arith.addf %add3A_74, %get3A_79 : vector<128x256xf32>
    %get3A_81 = arith.constant 14 : index
    %get3A_82 = arith.constant 0 : index
    %get3A_83 = arith.constant 0 : index
    %get3A_84 = vector.load %arg0[%get3A_81, %get3A_82, %get3A_83] : memref<32x128x256xf32, #tpu.memory_space<vmem>>, vector<1x128x256xf32>
    %get3A_85 = vector.shape_cast %get3A_84 : vector<1x128x256xf32> to vector<128x256xf32>
    %add3A_86 = arith.addf %add3A_80, %get3A_85 : vector<128x256xf32>
    %get3A_87 = arith.constant 15 : index
    %get3A_88 = arith.constant 0 : index
    %get3A_89 = arith.constant 0 : index
    %get3A_90 = vector.load %arg0[%get3A_87, %get3A_88, %get3A_89] : memref<32x128x256xf32, #tpu.memory_space<vmem>>, vector<1x128x256xf32>
    %get3A_91 = vector.shape_cast %get3A_90 : vector<1x128x256xf32> to vector<128x256xf32>
    %add3A_92 = arith.addf %add3A_86, %get3A_91 : vector<128x256xf32>
    %get3A_93 = arith.constant 16 : index
    %get3A_94 = arith.constant 0 : index
    %get3A_95 = arith.constant 0 : index
    %get3A_96 = vector.load %arg0[%get3A_93, %get3A_94, %get3A_95] : memref<32x128x256xf32, #tpu.memory_space<vmem>>, vector<1x128x256xf32>
    %get3A_97 = vector.shape_cast %get3A_96 : vector<1x128x256xf32> to vector<128x256xf32>
    %add3A_98 = arith.addf %add3A_92, %get3A_97 : vector<128x256xf32>
    %get3A_99 = arith.constant 17 : index
    %get3A_100 = arith.constant 0 : index
    %get3A_101 = arith.constant 0 : index
    %get3A_102 = vector.load %arg0[%get3A_99, %get3A_100, %get3A_101] : memref<32x128x256xf32, #tpu.memory_space<vmem>>, vector<1x128x256xf32>
    %get3A_103 = vector.shape_cast %get3A_102 : vector<1x128x256xf32> to vector<128x256xf32>
    %add3A_104 = arith.addf %add3A_98, %get3A_103 : vector<128x256xf32>
    %get3A_105 = arith.constant 18 : index
    %get3A_106 = arith.constant 0 : index
    %get3A_107 = arith.constant 0 : index
    %get3A_108 = vector.load %arg0[%get3A_105, %get3A_106, %get3A_107] : memref<32x128x256xf32, #tpu.memory_space<vmem>>, vector<1x128x256xf32>
    %get3A_109 = vector.shape_cast %get3A_108 : vector<1x128x256xf32> to vector<128x256xf32>
    %add3A_110 = arith.addf %add3A_104, %get3A_109 : vector<128x256xf32>
    %get3A_111 = arith.constant 19 : index
    %get3A_112 = arith.constant 0 : index
    %get3A_113 = arith.constant 0 : index
    %get3A_114 = vector.load %arg0[%get3A_111, %get3A_112, %get3A_113] : memref<32x128x256xf32, #tpu.memory_space<vmem>>, vector<1x128x256xf32>
    %get3A_115 = vector.shape_cast %get3A_114 : vector<1x128x256xf32> to vector<128x256xf32>
    %add3A_116 = arith.addf %add3A_110, %get3A_115 : vector<128x256xf32>
    %get3A_117 = arith.constant 20 : index
    %get3A_118 = arith.constant 0 : index
    %get3A_119 = arith.constant 0 : index
    %get3A_120 = vector.load %arg0[%get3A_117, %get3A_118, %get3A_119] : memref<32x128x256xf32, #tpu.memory_space<vmem>>, vector<1x128x256xf32>
    %get3A_121 = vector.shape_cast %get3A_120 : vector<1x128x256xf32> to vector<128x256xf32>
    %add3A_122 = arith.addf %add3A_116, %get3A_121 : vector<128x256xf32>
    %get3A_123 = arith.constant 21 : index
    %get3A_124 = arith.constant 0 : index
    %get3A_125 = arith.constant 0 : index
    %get3A_126 = vector.load %arg0[%get3A_123, %get3A_124, %get3A_125] : memref<32x128x256xf32, #tpu.memory_space<vmem>>, vector<1x128x256xf32>
    %get3A_127 = vector.shape_cast %get3A_126 : vector<1x128x256xf32> to vector<128x256xf32>
    %add3A_128 = arith.addf %add3A_122, %get3A_127 : vector<128x256xf32>
    %get3A_129 = arith.constant 22 : index
    %get3A_130 = arith.constant 0 : index
    %get3A_131 = arith.constant 0 : index
    %get3A_132 = vector.load %arg0[%get3A_129, %get3A_130, %get3A_131] : memref<32x128x256xf32, #tpu.memory_space<vmem>>, vector<1x128x256xf32>
    %get3A_133 = vector.shape_cast %get3A_132 : vector<1x128x256xf32> to vector<128x256xf32>
    %add3A_134 = arith.addf %add3A_128, %get3A_133 : vector<128x256xf32>
    %get3A_135 = arith.constant 23 : index
    %get3A_136 = arith.constant 0 : index
    %get3A_137 = arith.constant 0 : index
    %get3A_138 = vector.load %arg0[%get3A_135, %get3A_136, %get3A_137] : memref<32x128x256xf32, #tpu.memory_space<vmem>>, vector<1x128x256xf32>
    %get3A_139 = vector.shape_cast %get3A_138 : vector<1x128x256xf32> to vector<128x256xf32>
    %add3A_140 = arith.addf %add3A_134, %get3A_139 : vector<128x256xf32>
    %get3A_141 = arith.constant 24 : index
    %get3A_142 = arith.constant 0 : index
    %get3A_143 = arith.constant 0 : index
    %get3A_144 = vector.load %arg0[%get3A_141, %get3A_142, %get3A_143] : memref<32x128x256xf32, #tpu.memory_space<vmem>>, vector<1x128x256xf32>
    %get3A_145 = vector.shape_cast %get3A_144 : vector<1x128x256xf32> to vector<128x256xf32>
    %add3A_146 = arith.addf %add3A_140, %get3A_145 : vector<128x256xf32>
    %get3A_147 = arith.constant 25 : index
    %get3A_148 = arith.constant 0 : index
    %get3A_149 = arith.constant 0 : index
    %get3A_150 = vector.load %arg0[%get3A_147, %get3A_148, %get3A_149] : memref<32x128x256xf32, #tpu.memory_space<vmem>>, vector<1x128x256xf32>
    %get3A_151 = vector.shape_cast %get3A_150 : vector<1x128x256xf32> to vector<128x256xf32>
    %add3A_152 = arith.addf %add3A_146, %get3A_151 : vector<128x256xf32>
    %get3A_153 = arith.constant 26 : index
    %get3A_154 = arith.constant 0 : index
    %get3A_155 = arith.constant 0 : index
    %get3A_156 = vector.load %arg0[%get3A_153, %get3A_154, %get3A_155] : memref<32x128x256xf32, #tpu.memory_space<vmem>>, vector<1x128x256xf32>
    %get3A_157 = vector.shape_cast %get3A_156 : vector<1x128x256xf32> to vector<128x256xf32>
    %add3A_158 = arith.addf %add3A_152, %get3A_157 : vector<128x256xf32>
    %get3A_159 = arith.constant 27 : index
    %get3A_160 = arith.constant 0 : index
    %get3A_161 = arith.constant 0 : index
    %get3A_162 = vector.load %arg0[%get3A_159, %get3A_160, %get3A_161] : memref<32x128x256xf32, #tpu.memory_space<vmem>>, vector<1x128x256xf32>
    %get3A_163 = vector.shape_cast %get3A_162 : vector<1x128x256xf32> to vector<128x256xf32>
    %add3A_164 = arith.addf %add3A_158, %get3A_163 : vector<128x256xf32>
    %get3A_165 = arith.constant 28 : index
    %get3A_166 = arith.constant 0 : index
    %get3A_167 = arith.constant 0 : index
    %get3A_168 = vector.load %arg0[%get3A_165, %get3A_166, %get3A_167] : memref<32x128x256xf32, #tpu.memory_space<vmem>>, vector<1x128x256xf32>
    %get3A_169 = vector.shape_cast %get3A_168 : vector<1x128x256xf32> to vector<128x256xf32>
    %add3A_170 = arith.addf %add3A_164, %get3A_169 : vector<128x256xf32>
    %get3A_171 = arith.constant 29 : index
    %get3A_172 = arith.constant 0 : index
    %get3A_173 = arith.constant 0 : index
    %get3A_174 = vector.load %arg0[%get3A_171, %get3A_172, %get3A_173] : memref<32x128x256xf32, #tpu.memory_space<vmem>>, vector<1x128x256xf32>
    %get3A_175 = vector.shape_cast %get3A_174 : vector<1x128x256xf32> to vector<128x256xf32>
    %add3A_176 = arith.addf %add3A_170, %get3A_175 : vector<128x256xf32>
    %get3A_177 = arith.constant 30 : index
    %get3A_178 = arith.constant 0 : index
    %get3A_179 = arith.constant 0 : index
    %get3A_180 = vector.load %arg0[%get3A_177, %get3A_178, %get3A_179] : memref<32x128x256xf32, #tpu.memory_space<vmem>>, vector<1x128x256xf32>
    %get3A_181 = vector.shape_cast %get3A_180 : vector<1x128x256xf32> to vector<128x256xf32>
    %add3A_182 = arith.addf %add3A_176, %get3A_181 : vector<128x256xf32>
    %get3A_183 = arith.constant 31 : index
    %get3A_184 = arith.constant 0 : index
    %get3A_185 = arith.constant 0 : index
    %get3A_186 = vector.load %arg0[%get3A_183, %get3A_184, %get3A_185] : memref<32x128x256xf32, #tpu.memory_space<vmem>>, vector<1x128x256xf32>
    %get3A_187 = vector.shape_cast %get3A_186 : vector<1x128x256xf32> to vector<128x256xf32>
    %add3A_188 = arith.addf %add3A_182, %get3A_187 : vector<128x256xf32>
    %get3A_189 = arith.constant 0 : index
    %get3A_190 = arith.constant 0 : index
    %get3A_191 = vector.load %arg1[%get3A_189, %get3A_190] : memref<1x10000xi32, #tpu.memory_space<vmem>>, vector<1x10000xi32>
    %broadcast_in_dim3A = vector.shape_cast %get3A_191 : vector<1x10000xi32> to vector<1x10000xi32>
    %broadcast_in_dim3A_192 = vector.broadcast %broadcast_in_dim3A : vector<1x10000xi32> to vector<128x10000xi32>
    %iota3A = tpu.iota {dimensions = array<i32: 0>} : vector<128x10000xi32>
    %eq3A = arith.cmpi eq, %iota3A, %broadcast_in_dim3A_192 : vector<128x10000xi32>
    %convert_element_type3A = arith.extui %eq3A : vector<128x10000xi1> to vector<128x10000xi32>
    %convert_element_type3A_193 = arith.sitofp %convert_element_type3A : vector<128x10000xi32> to vector<128x10000xf32>
    %reduce_sum3A = arith.constant dense<0.000000e+00> : vector<128xf32>
    %reduce_sum3A_194 = vector.multi_reduction <add>, %convert_element_type3A_193, %reduce_sum3A [1] : vector<128x10000xf32> to vector<128xf32>
    %broadcast_in_dim3A_195 = vector.shape_cast %reduce_sum3A_194 : vector<128xf32> to vector<128x1xf32>
    %jit3A = arith.constant 1.000000e+00 : f32
    %max3A = vector.broadcast %jit3A : f32 to vector<128x1xf32>
    %max3A_196 = arith.maximumf %max3A, %broadcast_in_dim3A_195 : vector<128x1xf32>
    %div3A = vector.broadcast %max3A_196 : vector<128x1xf32> to vector<128x256xf32>
    %div3A_197 = arith.divf %add3A_188, %div3A : vector<128x256xf32>
    %get3A_198 = arith.constant 0 : index
    %get3A_199 = arith.constant 0 : index
    %get3A_200 = vector.load %arg2[%get3A_198, %get3A_199] : memref<128x128xf32, #tpu.memory_space<vmem>>, vector<128x128xf32>
    %get3A_201 = arith.constant 0 : index
    %get3A_202 = arith.constant 0 : index
    %get3A_203 = vector.load %arg3[%get3A_201, %get3A_202] : memref<512x384xf32, #tpu.memory_space<vmem>>, vector<512x128xf32>
    %dot_general3A = arith.constant dense<0.000000e+00> : vector<128x512xf32>
    %dot_general3A_204 = tpu.matmul %get3A_200, %get3A_203, %dot_general3A {dimension_numbers = #tpu.dot_dimension_numbers<[1], [1], [0], [0], [0, 0, 1, 0], [], []>, transpose_lhs_hint = false} : vector<128x128xf32>, vector<512x128xf32>, vector<128x512xf32> -> vector<128x512xf32>
    %get3A_205 = arith.constant 0 : index
    %get3A_206 = arith.constant 128 : index
    %get3A_207 = vector.load %arg3[%get3A_205, %get3A_206] : memref<512x384xf32, #tpu.memory_space<vmem>>, vector<512x256xf32>
    %dot_general3A_208 = arith.constant dense<0.000000e+00> : vector<128x512xf32>
    %dot_general3A_209 = tpu.matmul %div3A_197, %get3A_207, %dot_general3A_208 {dimension_numbers = #tpu.dot_dimension_numbers<[1], [1], [0], [0], [0, 0, 1, 0], [], []>, transpose_lhs_hint = false} : vector<128x256xf32>, vector<512x256xf32>, vector<128x512xf32> -> vector<128x512xf32>
    %add3A_210 = arith.addf %dot_general3A_204, %dot_general3A_209 : vector<128x512xf32>
    %get3A_211 = arith.constant 0 : index
    %get3A_212 = arith.constant 0 : index
    %get3A_213 = vector.load %arg4[%get3A_211, %get3A_212] : memref<1x512xf32, #tpu.memory_space<vmem>>, vector<1x512xf32>
    %add3A_214 = vector.broadcast %get3A_213 : vector<1x512xf32> to vector<128x512xf32>
    %add3A_215 = arith.addf %add3A_210, %add3A_214 : vector<128x512xf32>
    %max3A_216 = arith.constant 0.000000e+00 : f32
    %max3A_217 = vector.broadcast %max3A_216 : f32 to vector<128x512xf32>
    %max3A_218 = arith.maximumf %add3A_215, %max3A_217 : vector<128x512xf32>
    %get3A_219 = arith.constant 0 : index
    %get3A_220 = arith.constant 0 : index
    %get3A_221 = vector.load %arg5[%get3A_219, %get3A_220] : memref<256x512xf32, #tpu.memory_space<vmem>>, vector<256x512xf32>
    %dot_general3A_222 = arith.constant dense<0.000000e+00> : vector<128x256xf32>
    %dot_general3A_223 = tpu.matmul %max3A_218, %get3A_221, %dot_general3A_222 {dimension_numbers = #tpu.dot_dimension_numbers<[1], [1], [0], [0], [0, 0, 1, 0], [], []>, transpose_lhs_hint = false} : vector<128x512xf32>, vector<256x512xf32>, vector<128x256xf32> -> vector<128x256xf32>
    %get3A_224 = arith.constant 0 : index
    %get3A_225 = arith.constant 0 : index
    %get3A_226 = vector.load %arg6[%get3A_224, %get3A_225] : memref<1x256xf32, #tpu.memory_space<vmem>>, vector<1x256xf32>
    %add3A_227 = vector.broadcast %get3A_226 : vector<1x256xf32> to vector<128x256xf32>
    %add3A_228 = arith.addf %dot_general3A_223, %add3A_227 : vector<128x256xf32>
    %swap3A = arith.constant 0 : index
    %swap3A_229 = arith.constant 0 : index
    %swap3A_230 = vector.load %arg7[%swap3A, %swap3A_229] : memref<128x256xf32, #tpu.memory_space<vmem>>, vector<128x256xf32>
    tpu.vector_store %arg7[%swap3A, %swap3A_229], %add3A_228 {strides = array<i32>} : memref<128x256xf32, #tpu.memory_space<vmem>>, vector<128x256xf32>,
    return
  }
}

</mosaic_0001>

<sc_bundles>
// kernel: kernel.4.cloned.1.call-start
scs
__scs_entry_jumppad:
0x0: {  	(pc) =	sbr.rel $0x88, $3  }
0x1: {  	(tag) =	ssettag $0x0;
	lr =	simm.s32 $0x1  }
0x2: {  	[smem:$0x3F9A] =	sst lr;
	_ =	strace $0xD0000000  }
0x3: {  	_ = 	snop  }
0x4: {  	_ = 	snop  }
0x5: {  	_ = 	snop  }
0x6: {  	_ = 	snop  }
0x7: {  	_ = 	snop  }
__scs_overlays_trampoline_lowered:
0x8: {  	[smem:$0x3FA9] =	sst s0  }
0x9: {  	[smem:$0x3FAA] =	sst s1  }
0xa: {  	[smem:$0x3FAB] =	sst s2  }
0xb: {  	[smem:$0x3FAC] =	sst s3  }
0xc: {  	[smem:$0x3FAD] =	sst s4  }
0xd: {  	[smem:$0x3FAE] =	sst s5  }
0xe: {  	[smem:$0x3FAF] =	sst s6  }
0xf: {  	[smem:$0x3FB0] =	sst s7  }
0x10: {  	[smem:$0x3FB1] =	sst s8  }
0x11: {  	[smem:$0x3FB2] =	sst s9;
	s0 =	simm.s32 @!p0 $0x0  }
0x12: {  	s1 =	sld [smem:$0x3F98];
	s0 =	simm.s32 @p0 $0x1  }
0x13: {  	[smem:$0x3FB3] =	sst s0;
	s0 =	simm.s32 @!p1 $0x0  }
0x14: {  	s2 =	sld [smem:$0x3F97];
	s0 =	simm.s32 @p1 $0x1  }
0x15: {  	[smem:$0x3FB4] =	sst s0;
	s0 =	simm.s32 @!p2 $0x0  }
0x16: {  	s3 =	sld [smem:$0x3FDB];
	s0 =	simm.s32 @p2 $0x1  }
0x17: {  	s4 =	simm.s32 $0x1BF5;
	[smem:$0x3FB6] =	sst s0  }
0x18: {  	s0 =	sld [smem:$0x3F99];
	_ =	swait.ge [sflag:s4], $0x0  }
0x19: {  	s7 =	sld [smem:$0x3F9A]  }
0x1a: {  	s8 =	sadd.s32 $0xFFFFE003, lr  }
0x1b: {  	s9 =	sadd.s32 $0xFFFFFEF7, lr;
	s5 =	simm.s32 $0xFFFFFFFF;
	p2 =	slt.u32 s8, $0xFFFFF086  }
0x1c: {  	p1 =	slt.u32 s9, $0xF7A;
	s5 =	simm.s32 @!p2 $0x0  }
0x1d: {  	s5 =	simm.s32 @p1 $0x1;
	p0 =	seq.s32 s7, s2  }
0x1e: {  	s7 =	smul.u32 @!p0 $0xF7A, s2;
	p2 =	seq.s32 @!p0 s5, $0x0  }
0x1f: {  	s9 =	smul.u32 $0xF7A, s1;
	s8 =	simm.s32 @!p0 $0x1BF5;
	p2 =	por !p2, p0  }
0x20: {  	[sflag:s8] =	ssyncset.s32 @!p0 $0xFFFFF086;
	s6 =	sadd.s32 @!p0 s3, s7;
	s7 =	simm.s32 @!p0 $0x108  }
0x21: {  	s3 =	sadd.s32 s3, s9;
	s6 =	sadd.s32 @!p0 $0x88, s6;
	s7 =	simm.s32 @p2 $0x1082  }
0x22: {  	[simem:s7], [sflag:s8] =	dma.local @!p0 [hbm:s6], $0xF7A  }
0x23: {  	s9 =	sor.u32 $0xD0000000, s2;
	s6 =	simm.s32 $0x108;
	_ =	swait.ge @!p0 [sflag:s8], $0x0  }
0x24: {  	s3 =	sadd.s32 $0x88, s3;
	s6 =	simm.s32 @!p1 $0x1082;
	[sflag:s4] =	ssyncset.s32 $0xFFFFF086  }
0x25: {  	[simem:s6], [sflag:s4] =	dma.local [hbm:s3], $0xF7A  }
0x26: {  	[smem:$0x3F9A] =	sst s1;
	(tag) =	ssettag s2;
	_ =	strace s9  }
0x27: {  	s1 =	sld [smem:$0x3FAA]  }
0x28: {  	s2 =	sld [smem:$0x3FAB]  }
0x29: {  	s4 =	sld [smem:$0x3FAD]  }
0x2a: {  	p0 =	seq.s32 s5, $0x0;
	s5 =	sld [smem:$0x3FAE]  }
0x2b: {  	s6 =	sld [smem:$0x3FAF]  }
0x2c: {  	s7 =	sld [smem:$0x3FB0]  }
0x2d: {  	s3 =	simm.s32 $0x108;
	s8 =	sld [smem:$0x3FB1]  }
0x2e: {  	s3 =	simm.s32 @!p0 $0x1082;
	s9 =	sld [smem:$0x3FB2]  }
0x2f: {  	lr =	sadd.s32 s0, s3;
	s0 =	sld [smem:$0x3FA9]  }
0x30: {  	s3 =	sld [smem:$0x3FAC]  }
0x31: {  	[smem:$0x3FB5] =	sst s10  }
0x32: {  	s10 =	sld [smem:$0x3FB3];
	_ =	sdelay $0x3  }
0x33: {  	p0 =	seq.s32 s10, $0x1;
	s10 =	sld [smem:$0x3FB5];
	_ =	sdelay $0x3  }
0x34: {  	[smem:$0x3FB5] =	sst s10  }
0x35: {  	s10 =	sld [smem:$0x3FB4];
	_ =	sdelay $0x3  }
0x36: {  	p1 =	seq.s32 s10, $0x1;
	s10 =	sld [smem:$0x3FB5];
	_ =	sdelay $0x3  }
0x37: {  	[smem:$0x3FB5] =	sst s10  }
0x38: {  	s10 =	sld [smem:$0x3FB6]  }
0x39: {  	_ = 	snop;
	(pc) =	sbr.ind lr, $3  }
0x3a: {  	_ = 	snop  }
0x3b: {  	_ = 	snop  }
0x3c: {  	p2 =	seq.s32 s10, $0x1;
	s10 =	sld [smem:$0x3FB5]  }
0x3d: {  	_ =	shalt  }
0x3e: {  	_ =	shalt  }
0x3f: {  	_ =	shalt  }
0x40: {  	_ =	shalt  }
0x41: {  	_ =	shalt  }
0x42: {  	_ =	shalt  }
0x43: {  	_ =	shalt  }
0x44: {  	_ =	shalt  }
0x45: {  	_ =	shalt  }
0x46: {  	_ =	shalt  }
0x47: {  	_ =	shalt  }
0x48: {  	_ =	shalt  }
0x49: {  	_ =	shalt  }
0x4a: {  	_ =	shalt  }
0x4b: {  	_ =	shalt  }
0x4c: {  	_ =	shalt  }
0x4d: {  	_ =	shalt  }
0x4e: {  	_ =	shalt  }
0x4f: {  	_ =	shalt  }
0x50: {  	_ =	shalt  }
0x51: {  	_ =	shalt  }
0x52: {  	_ =	shalt  }
0x53: {  	_ =	shalt  }
0x54: {  	_ =	shalt  }
0x55: {  	_ =	shalt  }
0x56: {  	_ =	shalt  }
0x57: {  	_ =	shalt  }
0x58: {  	_ =	shalt  }
0x59: {  	_ =	shalt  }
0x5a: {  	_ =	shalt  }
0x5b: {  	_ =	shalt  }
0x5c: {  	_ =	shalt  }
0x5d: {  	_ =	shalt  }
0x5e: {  	_ =	shalt  }
0x5f: {  	_ =	shalt  }
0x60: {  	_ =	shalt  }
0x61: {  	_ =	shalt  }
0x62: {  	_ =	shalt  }
0x63: {  	_ =	shalt  }
0x64: {  	_ =	shalt  }
0x65: {  	_ =	shalt  }
0x66: {  	_ =	shalt  }
0x67: {  	_ =	shalt  }
0x68: {  	_ =	shalt  }
0x69: {  	_ =	shalt  }
0x6a: {  	_ =	shalt  }
0x6b: {  	_ =	shalt  }
0x6c: {  	_ =	shalt  }
0x6d: {  	_ =	shalt  }
0x6e: {  	_ =	shalt  }
0x6f: {  	_ =	shalt  }
0x70: {  	_ =	shalt  }
0x71: {  	_ =	shalt  }
0x72: {  	_ =	shalt  }
0x73: {  	_ =	shalt  }
0x74: {  	_ =	shalt  }
0x75: {  	_ =	shalt  }
0x76: {  	_ =	shalt  }
0x77: {  	_ =	shalt  }
0x78: {  	_ =	shalt  }
0x79: {  	_ =	shalt  }
0x7a: {  	_ =	shalt  }
0x7b: {  	_ =	shalt  }
0x7c: {  	_ =	shalt  }
0x7d: {  	_ =	shalt  }
0x7e: {  	_ =	shalt  }
0x7f: {  	_ =	shalt  }
0x80: {  	_ =	shalt  }
0x81: {  	_ =	shalt  }
0x82: {  	_ =	shalt  }
0x83: {  	_ =	shalt  }
0x84: {  	_ =	shalt  }
0x85: {  	_ =	shalt  }
0x86: {  	_ =	shalt  }
0x87: {  	_ =	shalt  }
.Lfunc_end0:
.L_simem_size_0:
called_computation_lowered:
.L_overlay_start_0:
0x88: {  	s2 =	sld [smem:$0x3FD9]  }
0x89: {  	s3 =	sld [smem:$0x3FFE];
	_ =	sdelay $0x1  }
0x8a: {  	s1 =	srdreg.scid  }
0x8b: {  	s0 =	sand.u32 $0x1, s1  }
0x8c: {  	s17 =	sshll.u32 s0, $0xA;
	s2 =	sadd.s32 s3, s2  }
0x8d: {  	s2 =	sadd.s32 s2, s17  }
0x8e: {  	[smem:$0x3FC1] =	sst s2  }
0x8f: {  	_ = 	snop  }
0x90: {  	s2 =	sld [smem:$0x3FC9]  }
0x91: {  	s18 =	sld [smem:$0x3FC7];
	(tm) =	ssettm $0x1  }
0x92: {  	s4 =	sld [smem:$0x3FFB];
	_ =	sdelay $0x3  }
0x93: {  	_ =	strace s4  }
0x94: {  	s4 =	sld [smem:$0x3FFC];
	_ =	sdelay $0x3  }
0x95: {  	_ =	strace s4  }
0x96: {  	s4 =	sld [smem:$0x3FFD];
	_ =	sdelay $0x3  }
0x97: {  	_ =	strace s4  }
0x98: {  	_ =	strace $0x8FFFFFFF  }
0x99: {  	s19 =	sld [smem:$0x3FDB];
	_ =	sdelay $0x1  }
0x9a: {  	s5 =	simm.s32 $_scs_section_size  }
0x9b: {  	s6 =	simm.s32 $_size__tile_overlayer_lowered;
	s7 =	simm.s32 $_tile_overlayer_lowered  }
0x9c: {  	s22 =	simm.s32 $0x1BFF;
	s21 =	sshll.u32 s7, $0x1;
	s4 =	sadd.s32 s5, s19  }
0x9d: {  	s8 =	simm.s32 $0x0;
	s20 =	sshll.u32 s6, $0x1;
	s6 =	sadd.s32 s21, s4  }
0x9e: {  	[timem:s8], [sflag:s22] =	dma.local [hbm:s6], s20  }
0x9f: {  	_ =	swait.ge [sflag:s22], s20  }
0xa0: {  	s5 =	ssub.s32 $0x0, s20;
	[sflag:s22] =	ssyncset.done $0x0  }
0xa1: {  	[sflag:s22] =	ssyncadd.s32 s5;
	_ =	sdelay $0x1  }
0xa2: {  	s23 =	simm.s32 $0x1B8B  }
0xa3: {  	_ =	swait.ge [sflag:s23], $0x1  }
0xa4: {  	[sflag:s23] =	ssyncset.done $0x0  }
0xa5: {  	s25 =	simm.s32 $0x1B8E;
	s24 =	sld [smem:$0x3FFE];
	[sflag:s23] =	ssyncadd.s32 $0xFFFFFFFF  }
0xa6: {  	s26 =	simm.s32 $execute0_lowered;
	[smem:$0x3FD2] =	sst s25  }
0xa7: {  	s6 =	sshll.u32 s26, $0x1;
	_ =	strace $0x80000046;
	[dreg:$0x1] =	wrdreg $0xFFFFFFFF  }
0xa8: {  	s28 =	simm.s32 $_size_execute0_lowered;
	s4 =	sadd.s32 s4, s6;
	[dreg:$0x0] =	wrdreg $0x0  }
0xa9: {  	s6 =	sshll.u32 s28, $0x1;
	[dreg:$0x2] =	wrdreg s4  }
0xaa: {  	[dreg:$0x3] =	wrdreg s6  }
0xab: {  	[dreg:$0x4] =	wrdreg $0xC0  }
0xac: {  	_ =	task [dreg:s8], $0x5FFFF  }
0xad: {  	[dreg:$0x1] =	wrdreg $0xFFFFFFFF  }
0xae: {  	[dreg:$0x0] =	wrdreg $0x60  }
0xaf: {  	[dreg:$0x2] =	wrdreg s2  }
0xb0: {  	[dreg:$0x3] =	wrdreg s18  }
0xb1: {  	[dreg:$0x4] =	wrdreg s24  }
0xb2: {  	[dreg:$0x5] =	wrdreg $0x9  }
0xb3: {  	_ =	task.clear_ibuf [dreg:s8], $0x6FFFF;
	_ =	strace $0x90000046  }
0xb4: {  	s29 =	simm.s32 $0x9;
	_ =	strace $0x80000048  }
0xb5: {  	_ =	swait.ge [sflag:s29], $0x1  }
0xb6: {  	[sflag:s29] =	ssyncadd.s32 $0xFFFFFFFF  }
0xb7: {  	_ =	strace $0x90000048  }
0xb8: {  	_ =	sfence  }
0xb9: {  	s30 =	sld [smem:$0x0];
	_ =	sdelay $0x2  }
0xba: {  	s31 =	sshll.u32 s1, $0xD;
	s1 =	sshrl.u32 s1, $0x2  }
0xbb: {  	s3 =	sand.u32 $0x4000, s31;
	s1 =	sadd.s32 s1, s30  }
0xbc: {  	s0 =	sor.u32 s3, s0;
	s1 =	sshll.u32 s1, $0x11  }
0xbd: {  	s0 =	sor.u32 s1, s0  }
0xbe: {  	s0 =	sadd.s32 $0x8F2B, s0  }
0xbf: {  	[sflag:s0] =	ssyncadd.remote.s32 $0x1  }
0xc0: {  	_ =	sfence.sel $0xFFFF  }
0xc1: {  	[dreg:$0x0] =	wrdreg $0xFFFFFFFF;
	(pc) =	sbr.abs _section_cstart, $3  }
0xc2: {  	[dreg:$0x1] =	wrdreg $0xFFFFFFFF  }
0xc3: {  	_ =	task.clear_ibuf [dreg:s8], $0x2FFFF;
	_ =	strace $0x9FFFFFFF  }
0xc4: {  	(tm) =	ssettm $0x7FFFFFFF  }
0xc5: {  	_ =	shalt  }
tec
execute0_lowered:
.L_overlay_start_1:
0x0: {  	(tag) =	ssettag $0x1  }
0x1: {  	s0 =	rddreg [dreg:$0x0]  }
0x2: {  	s2 =	srdreg.scid;
	s4 =	stileid.u32  }
0x3: {  	s1 =	rddreg [dreg:$0x1];
	s2 =	sand.u32 $0x1, s2;
	s4 =	sshll.u32 s4, $0x1  }
0x4: {  	s3 =	rddreg [dreg:$0x2];
	s29 =	simm.s32 $0x0;
	s4 =	sor.u32 s2, s4  }
0x5: {  	[smem:$0x7FF] =	sst s29;
	s26 =	sadd.s32 $0x4E0, s1;
	s5 =	smul.u32 $0x2700, s4  }
0x6: {  	s2 =	ssub.s32 $0x2, s2;
	_ =	strace $0x80000047;
	s7 =	smul.u32 $0x27, s4  }
0x7: {  	[smem:$0x7FB] =	sst s26;
	s6 =	sshll.u32 s4, $0xC;
	s5 =	sadd.s32 s0, s5  }
0x8: {  	s24 =	sshrl.u32 s2, $0x1;
	s25 =	sadd.s32 s1, s7;
	[smem:$0x7F8] =	sst s5  }
0x9: {  	s3 =	sadd.s32 s6, s3;
	s0 =	sadd.s32 $0x4E000, s0;
	[smem:$0x7F9] =	sst s25  }
0xa: {  	s2 =	ssub.s32 s2, s24;
	s28 =	sadd.s32 $0x1200, s3;
	[smem:$0x7FA] =	sst s0  }
0xb: {  	s30 =	simm.s32 $0x1;
	s31 =	smax.u32 s2, $0x1;
	[smem:$0x7FC] =	sst s28  }
0xc: {  	v0 =	vimm.f32 $0.0e+00;
	p0 =	sne.s32 s4, $0x0;
	[smem:$0x7FD] =	sst s31;
	s25 =	simm.s32 $0x0  }
.LBB2_1:
0xd: {  	s0 =	sand.u32 $0x7800, s29;
	s1 =	sand.u32 $0x200, s29  }
0xe: {  	s0 =	sor.u32 s1, s0  }
0xf: {  	[tilespmem:s0+$0x1F0] =	vst v0  }
0x10: {  	[tilespmem:s0+$0xC0] =	vst v0  }
0x11: {  	[tilespmem:s0+$0x140] =	vst v0  }
0x12: {  	[tilespmem:s0+$0x1D0] =	vst v0  }
0x13: {  	[tilespmem:s0+$0x1B0] =	vst v0  }
0x14: {  	[tilespmem:s0+$0x150] =	vst v0  }
0x15: {  	[tilespmem:s0+$0x190] =	vst v0  }
0x16: {  	[tilespmem:s0+$0x1E0] =	vst v0  }
0x17: {  	[tilespmem:s0+$0xF0] =	vst v0  }
0x18: {  	[tilespmem:s0+$0x1C0] =	vst v0  }
0x19: {  	[tilespmem:s0+$0xE0] =	vst v0  }
0x1a: {  	[tilespmem:s0+$0xD0] =	vst v0  }
0x1b: {  	[tilespmem:s0+$0x130] =	vst v0  }
0x1c: {  	[tilespmem:s0+$0x70] =	vst v0  }
0x1d: {  	[tilespmem:s0+$0x160] =	vst v0  }
0x1e: {  	[tilespmem:s0+$0xB0] =	vst v0  }
0x1f: {  	[tilespmem:s0+$0x120] =	vst v0  }
0x20: {  	[tilespmem:s0+$0x90] =	vst v0  }
0x21: {  	[tilespmem:s0+$0x170] =	vst v0  }
0x22: {  	[tilespmem:s0+$0x60] =	vst v0  }
0x23: {  	[tilespmem:s0+$0xA0] =	vst v0  }
0x24: {  	[tilespmem:s0+$0x110] =	vst v0  }
0x25: {  	[tilespmem:s0+$0x80] =	vst v0  }
0x26: {  	[tilespmem:s0+$0x100] =	vst v0  }
0x27: {  	[tilespmem:s0+$0x1A0] =	vst v0  }
0x28: {  	[tilespmem:s0+$0x20] =	vst v0  }
0x29: {  	[tilespmem:s0+$0x180] =	vst v0  }
0x2a: {  	p1 =	por $0x0, $0x0;
	s1 =	simm.s32 $0x1;
	[tilespmem:s0+$0x50] =	vst v0  }
0x2b: {  	s1 =	simm.s32 @!p1 $0x0;
	[tilespmem:s0+$0x40] =	vst v0  }
0x2c: {  	[tilespmem:s0+$0x30] =	vst v0;
	s1 =	sshll.u32 s1, $0x9  }
0x2d: {  	[tilespmem:s0+$0x10] =	vst v0;
	s1 =	sadd.s32 $0x0, s1  }
0x2e: {  	[tilespmem:s0+$0x0] =	vst v0;
	s2 =	sadd.s32 $0x80, s1;
	s22 =	sor.u32 $0x400, s1  }
0x2f: {  	s7 =	sadd.s32 $0x100, s1;
	s3 =	sor.u32 $0x400, s2;
	[tilespmem:s22+$0x0] =	vst v0  }
0x30: {  	s14 =	sadd.s32 $0x180, s1;
	s8 =	sor.u32 $0x400, s7;
	[tilespmem:s3+$0x0] =	vst v0  }
0x31: {  	s15 =	sor.u32 $0x400, s14;
	[tilespmem:s8+$0x0] =	vst v0  }
0x32: {  	s23 =	sor.u32 $0x410, s1;
	[tilespmem:s15+$0x0] =	vst v0  }
0x33: {  	s26 =	sor.u32 $0x410, s2;
	[tilespmem:s23+$0x0] =	vst v0  }
0x34: {  	s16 =	sor.u32 $0x410, s14;
	[tilespmem:s26+$0x0] =	vst v0  }
0x35: {  	s24 =	sor.u32 $0x420, s1;
	[tilespmem:s16+$0x0] =	vst v0  }
0x36: {  	s28 =	sor.u32 $0x420, s2;
	[tilespmem:s24+$0x0] =	vst v0  }
0x37: {  	s17 =	sor.u32 $0x420, s14;
	[tilespmem:s28+$0x0] =	vst v0  }
0x38: {  	s26 =	sor.u32 $0x430, s1;
	[tilespmem:s17+$0x0] =	vst v0  }
0x39: {  	s31 =	sor.u32 $0x430, s2;
	[tilespmem:s26+$0x0] =	vst v0  }
0x3a: {  	s18 =	sor.u32 $0x430, s14;
	[tilespmem:s31+$0x0] =	vst v0  }
0x3b: {  	s28 =	sor.u32 $0x440, s1;
	[tilespmem:s18+$0x0] =	vst v0  }
0x3c: {  	s4 =	sor.u32 $0x440, s2;
	[tilespmem:s28+$0x0] =	vst v0  }
0x3d: {  	s19 =	sor.u32 $0x440, s14;
	[tilespmem:s4+$0x0] =	vst v0  }
0x3e: {  	s31 =	sor.u32 $0x450, s1;
	[tilespmem:s19+$0x0] =	vst v0  }
0x3f: {  	s5 =	sor.u32 $0x450, s2;
	[tilespmem:s31+$0x0] =	vst v0  }
0x40: {  	s4 =	sor.u32 $0x410, s7;
	[tilespmem:s5+$0x0] =	vst v0  }
0x41: {  	s20 =	sor.u32 $0x450, s14;
	[tilespmem:s4+$0x0] =	vst v0  }
0x42: {  	s6 =	sor.u32 $0x460, s2;
	[tilespmem:s20+$0x0] =	vst v0  }
0x43: {  	s9 =	sor.u32 $0x420, s7;
	[tilespmem:s6+$0x0] =	vst v0  }
0x44: {  	s21 =	sor.u32 $0x460, s14;
	[tilespmem:s9+$0x0] =	vst v0  }
0x45: {  	s2 =	sor.u32 $0x470, s2;
	[tilespmem:s21+$0x0] =	vst v0  }
0x46: {  	s10 =	sor.u32 $0x430, s7;
	[tilespmem:s2+$0x0] =	vst v0  }
0x47: {  	s11 =	sor.u32 $0x440, s7;
	[tilespmem:s10+$0x0] =	vst v0  }
0x48: {  	s12 =	sor.u32 $0x450, s7;
	[tilespmem:s11+$0x0] =	vst v0  }
0x49: {  	s13 =	sor.u32 $0x460, s7;
	[tilespmem:s12+$0x0] =	vst v0  }
0x4a: {  	s0 =	simm.s32 $0x0;
	s2 =	sor.u32 $0x470, s7;
	[tilespmem:s13+$0x0] =	vst v0  }
0x4b: {  	p1 =	por !p1, !p1;
	s3 =	sor.u32 $0x470, s1;
	[tilespmem:s2+$0x0] =	vst v0;
	s2 =	sor.u32 $0x470, s14  }
0x4c: {  	s11 =	sor.u32 $0x460, s1;
	s1 =	simm.s32 $0x200;
	[tilespmem:s2+$0x0] =	vst v0;
	s2 =	simm.s32 $0x400  }
.LBB2_2:
0x4d: {  	s4 =	simm.s32 $0x1  }
0x4e: {  	s5 =	sand.u32 $0x7800, s2;
	s6 =	sand.u32 $0x200, s1;
	[tilespmem:s11+$0x0] =	vst v0;
	s4 =	simm.s32 @!p1 $0x0  }
0x4f: {  	s0 =	sadd.s32 $0x4, s0;
	s7 =	sshll.u32 s4, $0x9;
	s4 =	sor.u32 s6, s5;
	[tilespmem:s3+$0x0] =	vst v0  }
0x50: {  	p2 =	slt.u32 s0, $0x7C;
	s3 =	sadd.s32 s7, s2;
	[tilespmem:s4+$0x1F0] =	vst v0  }
0x51: {  	[tilespmem:s4+$0xC0] =	vst v0;
	s19 =	sadd.s32 $0x80, s3;
	s7 =	sadd.s32 $0x100, s3;
	s5 =	sadd.s32 $0x180, s3  }
0x52: {  	s11 =	sor.u32 $0x400, s19;
	[tilespmem:s4+$0x140] =	vst v0;
	s6 =	sor.u32 $0x400, s5  }
0x53: {  	s18 =	sor.u32 $0x400, s7;
	[tilespmem:s4+$0x1D0] =	vst v0  }
0x54: {  	[tilespmem:s4+$0x1B0] =	vst v0  }
0x55: {  	[tilespmem:s4+$0x150] =	vst v0  }
0x56: {  	s9 =	sor.u32 $0x410, s5;
	[tilespmem:s4+$0x190] =	vst v0  }
0x57: {  	[tilespmem:s4+$0x1E0] =	vst v0  }
0x58: {  	[tilespmem:s4+$0xF0] =	vst v0  }
0x59: {  	[tilespmem:s4+$0x1C0] =	vst v0  }
0x5a: {  	s8 =	sor.u32 $0x450, s5;
	[tilespmem:s4+$0xE0] =	vst v0  }
0x5b: {  	[tilespmem:s4+$0xD0] =	vst v0  }
0x5c: {  	s20 =	sor.u32 $0x410, s7;
	s10 =	sor.u32 $0x470, s5;
	[tilespmem:s4+$0x130] =	vst v0  }
0x5d: {  	[tilespmem:s4+$0x70] =	vst v0  }
0x5e: {  	[tilespmem:s4+$0x160] =	vst v0  }
0x5f: {  	s21 =	sor.u32 $0x420, s7;
	[tilespmem:s4+$0xB0] =	vst v0  }
0x60: {  	s22 =	sor.u32 $0x430, s7;
	[tilespmem:s4+$0x120] =	vst v0  }
0x61: {  	s23 =	sor.u32 $0x440, s7;
	[tilespmem:s4+$0x90] =	vst v0  }
0x62: {  	[tilespmem:s4+$0x170] =	vst v0  }
0x63: {  	[tilespmem:s4+$0x60] =	vst v0  }
0x64: {  	[tilespmem:s4+$0xA0] =	vst v0  }
0x65: {  	s12 =	sor.u32 $0x400, s3;
	[tilespmem:s4+$0x110] =	vst v0  }
0x66: {  	s13 =	sor.u32 $0x410, s3;
	[tilespmem:s4+$0x80] =	vst v0  }
0x67: {  	s14 =	sor.u32 $0x420, s3;
	[tilespmem:s11+$0x0] =	vst v0;
	s11 =	sor.u32 $0x410, s19  }
0x68: {  	s15 =	sor.u32 $0x430, s3;
	[tilespmem:s11+$0x0] =	vst v0;
	s11 =	sor.u32 $0x420, s19  }
0x69: {  	s16 =	sor.u32 $0x440, s3;
	[tilespmem:s11+$0x0] =	vst v0;
	s11 =	sor.u32 $0x430, s19  }
0x6a: {  	s17 =	sor.u32 $0x450, s3;
	s24 =	sor.u32 $0x440, s19;
	[tilespmem:s11+$0x0] =	vst v0  }
0x6b: {  	s11 =	sor.u32 $0x460, s3;
	[tilespmem:s24+$0x0] =	vst v0;
	s24 =	sor.u32 $0x450, s19  }
0x6c: {  	[tilespmem:s24+$0x0] =	vst v0;
	s24 =	sor.u32 $0x460, s19  }
0x6d: {  	s19 =	sor.u32 $0x470, s19;
	[tilespmem:s24+$0x0] =	vst v0;
	s24 =	sor.u32 $0x420, s5  }
0x6e: {  	[tilespmem:s19+$0x0] =	vst v0  }
0x6f: {  	[tilespmem:s4+$0x100] =	vst v0  }
0x70: {  	[tilespmem:s4+$0x1A0] =	vst v0  }
0x71: {  	[tilespmem:s18+$0x0] =	vst v0  }
0x72: {  	[tilespmem:s20+$0x0] =	vst v0  }
0x73: {  	[tilespmem:s21+$0x0] =	vst v0  }
0x74: {  	[tilespmem:s22+$0x0] =	vst v0  }
0x75: {  	s18 =	sor.u32 $0x450, s7;
	[tilespmem:s23+$0x0] =	vst v0  }
0x76: {  	[tilespmem:s18+$0x0] =	vst v0;
	s18 =	sor.u32 $0x460, s7  }
0x77: {  	s7 =	sor.u32 $0x470, s7;
	[tilespmem:s18+$0x0] =	vst v0  }
0x78: {  	[tilespmem:s7+$0x0] =	vst v0  }
0x79: {  	[tilespmem:s4+$0x20] =	vst v0  }
0x7a: {  	[tilespmem:s4+$0x180] =	vst v0  }
0x7b: {  	[tilespmem:s6+$0x0] =	vst v0  }
0x7c: {  	[tilespmem:s9+$0x0] =	vst v0  }
0x7d: {  	s6 =	sor.u32 $0x430, s5;
	[tilespmem:s24+$0x0] =	vst v0  }
0x7e: {  	[tilespmem:s6+$0x0] =	vst v0;
	s6 =	sor.u32 $0x440, s5  }
0x7f: {  	[tilespmem:s6+$0x0] =	vst v0  }
0x80: {  	s5 =	sor.u32 $0x460, s5;
	[tilespmem:s8+$0x0] =	vst v0  }
0x81: {  	[tilespmem:s5+$0x0] =	vst v0  }
0x82: {  	[tilespmem:s10+$0x0] =	vst v0  }
0x83: {  	[tilespmem:s4+$0x50] =	vst v0  }
0x84: {  	[tilespmem:s4+$0x40] =	vst v0  }
0x85: {  	[tilespmem:s4+$0x30] =	vst v0  }
0x86: {  	[tilespmem:s4+$0x10] =	vst v0  }
0x87: {  	[tilespmem:s4+$0x0] =	vst v0  }
0x88: {  	[tilespmem:s12+$0x0] =	vst v0  }
.Ltmp0:
0x89: {  	[tilespmem:s13+$0x0] =	vst v0;
	(pc) =	sbr.rel @p2 .LBB2_2-.Ltmp0, $4  }
0x8a: {  	[tilespmem:s14+$0x0] =	vst v0  }
0x8b: {  	[tilespmem:s15+$0x0] =	vst v0  }
0x8c: {  	p1 =	por !p1, !p1;
	[tilespmem:s16+$0x0] =	vst v0  }
0x8d: {  	s1 =	sadd.s32 $0x200, s1;
	s2 =	sadd.s32 $0x400, s2;
	s3 =	sor.u32 $0x470, s3;
	[tilespmem:s17+$0x0] =	vst v0  }
0x8e: {  	[tilespmem:s11+$0x0] =	vst v0  }
0x8f: {  	[tilespmem:s3+$0x0] =	vst v0  }
0x90: {  	s0 =	sld [smem:$0x7F8];
	_ =	sdelay $0x1  }
0x91: {  	s1 =	simm.s32 $0x8000  }
0x92: {  	[tilespmem:s1], [sflag:$0x1] =	stream.linear.gather [hbm4b:s0+s29], $0x13800, $0x38;
	[tilespmem:$0x1C980] =	vst v63  }
0x93: {  	_ =	swait.ge [sflag:s30], $0x13800  }
0x94: {  	s23 =	sld [smem:$0x7F9]  }
0x95: {  	[sflag:s30] =	ssyncset.done $0x0  }
0x96: {  	s24 =	simm.s32 $0x1C800;
	[sflag:s30] =	ssyncadd.s32 $0xFFFEC800  }
0x97: {  	[tilespmem:s24], [sflag:$0x1] =	stream.linear.gather [hbm4b:s23+s29], $0x138, $0x38;
	[tilespmem:$0x1C980] =	vst v63  }
0x98: {  	_ =	swait.ge [sflag:s30], $0x138  }
0x99: {  	s2 =	sld [smem:$0x7FA]  }
0x9a: {  	[sflag:s30] =	ssyncset.done $0x0  }
0x9b: {  	s0 =	simm.s32 @!p0 $0x0;
	s1 =	simm.s32 @!p0 $0x1B800;
	[sflag:s30] =	ssyncadd.s32 $0xFFFFFEC8  }
0x9c: {  	[tilespmem:s1], [sflag:$0x1] =	stream.linear.gather @!p0 [hbm4b:s2+s0], $0x1000, $0x38;
	[tilespmem:$0x1C980] =	vst v63  }
0x9d: {  	s1 =	simm.s32 @!p0 $0x1  }
0x9e: {  	_ =	swait.ge @!p0 [sflag:s1], $0x1000  }
0x9f: {  	s3 =	sld [smem:$0x7FB]  }
0xa0: {  	[sflag:s1] =	ssyncset.done @!p0 $0x0  }
0xa1: {  	s2 =	simm.s32 @!p0 $0x1C938;
	[sflag:s1] =	ssyncadd.s32 @!p0 $0xFFFFF000  }
0xa2: {  	[tilespmem:s2], [sflag:$0x1] =	stream.linear.gather @!p0 [hbm4b:s3+s0], $0x10, $0x38;
	[tilespmem:$0x1C980] =	vst v63  }
0xa3: {  	s0 =	simm.s32 @!p0 $0x148;
	_ =	swait.ge @!p0 [sflag:s1], $0x10  }
0xa4: {  	s0 =	simm.s32 @p0 $0x138;
	[sflag:s1] =	ssyncset.done @!p0 $0x0  }
0xa5: {  	s6 =	simm.s32 $0x1C802;
	[dreg:$0x4] =	wrdreg s0;
	[sflag:s1] =	ssyncadd.s32 @!p0 $0xFFFFFFF0  }
0xa6: {  	v1 =	vld [tilespmem:s6+$0x1];
	_ =	sdelay $0x1  }
0xa7: {  	v2 =	vld [tilespmem:s6+$0xFFFFFFFE]  }
0xa8: {  	v3 =	vld [tilespmem:s6+$0xFFFFFFFF];
	_ =	sdelay $0x1  }
0xa9: {  	(v2sf) =	vpush v1, $0x0;
	_ =	sdelay $0x1  }
0xaa: {  	v1 =	vld [tilespmem:s6+$0x0];
	(v2sf) =	vpush v2, $0x0  }
0xab: {  	(v2sf) =	vpush v3, $0x0;
	_ =	sdelay $0x3  }
0xac: {  	(v2sf) =	vpush v1, $0x0;
	_ =	sdelay $0x3  }
0xad: {  	s2 =	simm.s32 $0x0  }
0xae: {  	s8 =	simm.s32 $0x0;
	s7 =	sand.u32 $0x7FFFF800, s2  }
0xaf: {  	s26 =	simm.s32 $0x100;
	s3 =	sand.u32 $0x200, s8;
	s5 =	sadd.s32 $0x8000, s7  }
0xb0: {  	s9 =	simm.s32 $0x80;
	s8 =	sand.u32 $0x300, s26;
	s4 =	sor.u32 s3, s5  }
0xb1: {  	s0 =	rddreg [dreg:$0x4];
	s3 =	sand.u32 $0x280, s9;
	v1 =	vld [tilespmem:s4+$0x180];
	s6 =	spop (v2sf)  }
0xb2: {  	s3 =	sor.u32 s3, s5;
	s5 =	sor.u32 s8, s5;
	s7 =	sshll.u32 s6, $0x8  }
0xb3: {  	v2 =	vld [tilespmem:s4+$0x0];
	s6 =	sshll.u32 s6, $0x7;
	s9 =	spop (v2sf);
	s7 =	sand.u32 $0xFFFFF800, s7  }
0xb4: {  	v3 =	vld [tilespmem:s3+$0x0];
	s6 =	sand.u32 $0x380, s6;
	s10 =	spop (v2sf);
	s11 =	sshll.u32 s9, $0x8  }
0xb5: {  	v4 =	vld [tilespmem:s5+$0x0];
	s12 =	sshll.u32 s9, $0x7;
	s1 =	sor.u32 s6, s7;
	s13 =	sshll.u32 s10, $0x8  }
0xb6: {  	s6 =	sshll.u32 s10, $0x7;
	s7 =	sand.u32 $0xFFFFF800, s11;
	s8 =	sand.u32 $0x380, s12;
	[tilespmem:s1+$0x0] =	vst.add.f32.msk $0xffff, v1  }
0xb7: {  	s9 =	sand.u32 $0xFFFFF800, s13;
	s6 =	sand.u32 $0x380, s6;
	s7 =	sor.u32 s8, s7;
	v1 =	vld [tilespmem:s4+$0x190]  }
0xb8: {  	s10 =	spop (v2sf);
	[tilespmem:s7+$0x0] =	vst.add.f32.msk $0xffff, v2;
	s8 =	sor.u32 s6, s9  }
0xb9: {  	s14 =	sshll.u32 s10, $0x8;
	s15 =	sshll.u32 s10, $0x7;
	[tilespmem:s8+$0x0] =	vst.add.f32.msk $0xffff, v3  }
0xba: {  	v2 =	vld [tilespmem:s4+$0x10];
	s6 =	sand.u32 $0xFFFFF800, s14;
	s9 =	sand.u32 $0x380, s15  }
0xbb: {  	v3 =	vld [tilespmem:s3+$0x10];
	s9 =	sor.u32 s9, s6  }
0xbc: {  	s16 =	sor.u32 $0x10, s1;
	[tilespmem:s9+$0x0] =	vst.add.f32.msk $0xffff, v4  }
0xbd: {  	[tilespmem:s16+$0x0] =	vst.add.f32.msk $0xffff, v1  }
0xbe: {  	v4 =	vld [tilespmem:s5+$0x10]  }
0xbf: {  	s18 =	sor.u32 $0x10, s7;
	v1 =	vld [tilespmem:s4+$0x1A0]  }
0xc0: {  	s19 =	sor.u32 $0x10, s8;
	[tilespmem:s18+$0x0] =	vst.add.f32.msk $0xffff, v2  }
0xc1: {  	[tilespmem:s19+$0x0] =	vst.add.f32.msk $0xffff, v3  }
0xc2: {  	v2 =	vld [tilespmem:s4+$0x20]  }
0xc3: {  	s17 =	sor.u32 $0x20, s1;
	v3 =	vld [tilespmem:s3+$0x20]  }
0xc4: {  	[tilespmem:s17+$0x0] =	vst.add.f32.msk $0xffff, v1  }
0xc5: {  	s20 =	sor.u32 $0x10, s9;
	v1 =	vld [tilespmem:s4+$0x1B0]  }
0xc6: {  	[tilespmem:s20+$0x0] =	vst.add.f32.msk $0xffff, v4  }
0xc7: {  	s22 =	sor.u32 $0x20, s7;
	v4 =	vld [tilespmem:s5+$0x20]  }
0xc8: {  	[tilespmem:s22+$0x0] =	vst.add.f32.msk $0xffff, v2  }
0xc9: {  	s21 =	sor.u32 $0x30, s1;
	v2 =	vld [tilespmem:s4+$0x30]  }
0xca: {  	[tilespmem:s21+$0x0] =	vst.add.f32.msk $0xffff, v1  }
0xcb: {  	s24 =	sor.u32 $0x20, s8;
	v1 =	vld [tilespmem:s4+$0x1C0]  }
0xcc: {  	[tilespmem:s24+$0x0] =	vst.add.f32.msk $0xffff, v3  }
0xcd: {  	s26 =	sor.u32 $0x20, s9;
	v3 =	vld [tilespmem:s3+$0x30]  }
0xce: {  	[tilespmem:s26+$0x0] =	vst.add.f32.msk $0xffff, v4  }
0xcf: {  	s23 =	sor.u32 $0x40, s1;
	v4 =	vld [tilespmem:s5+$0x30]  }
0xd0: {  	[tilespmem:s23+$0x0] =	vst.add.f32.msk $0xffff, v1  }
0xd1: {  	s11 =	sor.u32 $0x30, s7;
	v1 =	vld [tilespmem:s4+$0x1D0]  }
0xd2: {  	s12 =	sor.u32 $0x30, s8;
	[tilespmem:s11+$0x0] =	vst.add.f32.msk $0xffff, v2  }
0xd3: {  	[tilespmem:s12+$0x0] =	vst.add.f32.msk $0xffff, v3  }
0xd4: {  	v2 =	vld [tilespmem:s4+$0x40]  }
0xd5: {  	s10 =	sor.u32 $0x50, s1;
	v3 =	vld [tilespmem:s3+$0x40]  }
0xd6: {  	[tilespmem:s10+$0x0] =	vst.add.f32.msk $0xffff, v1  }
0xd7: {  	s13 =	sor.u32 $0x30, s9;
	v1 =	vld [tilespmem:s4+$0x1E0]  }
0xd8: {  	[tilespmem:s13+$0x0] =	vst.add.f32.msk $0xffff, v4  }
0xd9: {  	s15 =	sor.u32 $0x40, s7;
	v4 =	vld [tilespmem:s5+$0x40]  }
0xda: {  	[tilespmem:s15+$0x0] =	vst.add.f32.msk $0xffff, v2  }
0xdb: {  	s14 =	sor.u32 $0x60, s1;
	v2 =	vld [tilespmem:s4+$0x50]  }
0xdc: {  	[tilespmem:s14+$0x0] =	vst.add.f32.msk $0xffff, v1  }
0xdd: {  	p1 =	por $0x0, $0x0;
	s6 =	simm.s32 $0x1;
	s18 =	sor.u32 $0x40, s8;
	v1 =	vld [tilespmem:s4+$0x1F0]  }
0xde: {  	s6 =	simm.s32 @!p1 $0x0;
	[tilespmem:s18+$0x0] =	vst.add.f32.msk $0xffff, v3  }
0xdf: {  	s6 =	sshll.u32 s6, $0x9;
	s19 =	sor.u32 $0x40, s9;
	v3 =	vld [tilespmem:s3+$0x50]  }
0xe0: {  	s12 =	sadd.s32 $0x0, s6;
	[tilespmem:s19+$0x0] =	vst.add.f32.msk $0xffff, v4  }
0xe1: {  	s16 =	sor.u32 $0x70, s1;
	s6 =	sadd.s32 $0x180, s12;
	v4 =	vld [tilespmem:s5+$0x50]  }
0xe2: {  	s17 =	sor.u32 $0x400, s6;
	[tilespmem:s16+$0x0] =	vst.add.f32.msk $0xffff, v1  }
0xe3: {  	s22 =	sor.u32 $0x50, s7;
	v1 =	vld [tilespmem:s17+$0x8000]  }
0xe4: {  	s23 =	sor.u32 $0x50, s8;
	[tilespmem:s22+$0x0] =	vst.add.f32.msk $0xffff, v2  }
0xe5: {  	[tilespmem:s23+$0x0] =	vst.add.f32.msk $0xffff, v3  }
0xe6: {  	v2 =	vld [tilespmem:s4+$0x60]  }
0xe7: {  	s20 =	sor.u32 $0x400, s1;
	v3 =	vld [tilespmem:s3+$0x60]  }
0xe8: {  	s21 =	sor.u32 $0x410, s6;
	[tilespmem:s20+$0x0] =	vst.add.f32.msk $0xffff, v1  }
0xe9: {  	s24 =	sor.u32 $0x50, s9;
	v1 =	vld [tilespmem:s21+$0x8000]  }
0xea: {  	[tilespmem:s24+$0x0] =	vst.add.f32.msk $0xffff, v4  }
0xeb: {  	s13 =	sor.u32 $0x60, s7;
	v4 =	vld [tilespmem:s5+$0x60]  }
0xec: {  	[tilespmem:s13+$0x0] =	vst.add.f32.msk $0xffff, v2  }
0xed: {  	s26 =	sor.u32 $0x410, s1;
	v2 =	vld [tilespmem:s4+$0x70]  }
0xee: {  	s11 =	sor.u32 $0x420, s6;
	[tilespmem:s26+$0x0] =	vst.add.f32.msk $0xffff, v1  }
0xef: {  	s16 =	sor.u32 $0x60, s8;
	v1 =	vld [tilespmem:s11+$0x8000]  }
0xf0: {  	s17 =	sor.u32 $0x60, s9;
	[tilespmem:s16+$0x0] =	vst.add.f32.msk $0xffff, v3  }
0xf1: {  	[tilespmem:s17+$0x0] =	vst.add.f32.msk $0xffff, v4  }
0xf2: {  	v3 =	vld [tilespmem:s3+$0x70]  }
0xf3: {  	s14 =	sor.u32 $0x420, s1;
	v4 =	vld [tilespmem:s5+$0x70]  }
0xf4: {  	s15 =	sor.u32 $0x430, s6;
	s22 =	sand.u32 $0x7, s2;
	[tilespmem:s14+$0x0] =	vst.add.f32.msk $0xffff, v1  }
0xf5: {  	s2 =	sand.u32 $0x3, s2;
	s24 =	sshll.u32 s22, $0x7;
	s20 =	sor.u32 $0x70, s7;
	v1 =	vld [tilespmem:s15+$0x8000]  }
0xf6: {  	s2 =	sshll.u32 s2, $0x8;
	s3 =	sadd.s32 $0x0, s24;
	[tilespmem:s20+$0x0] =	vst.add.f32.msk $0xffff, v2;
	s26 =	sor.u32 $0x400, s12  }
0xf7: {  	s21 =	sor.u32 $0x70, s8;
	v2 =	vld [tilespmem:s26+$0x8000];
	s11 =	sadd.s32 $0x0, s2;
	s2 =	sadd.s32 $0x80, s3  }
0xf8: {  	[tilespmem:s21+$0x0] =	vst.add.f32.msk $0xffff, v3;
	s14 =	sor.u32 $0x400, s2  }
0xf9: {  	s18 =	sor.u32 $0x430, s1;
	v3 =	vld [tilespmem:s14+$0x8000]  }
0xfa: {  	s19 =	sor.u32 $0x440, s6;
	[tilespmem:s18+$0x0] =	vst.add.f32.msk $0xffff, v1  }
0xfb: {  	s16 =	sor.u32 $0x400, s7;
	v1 =	vld [tilespmem:s19+$0x8000]  }
0xfc: {  	s17 =	sor.u32 $0x410, s12;
	[tilespmem:s16+$0x0] =	vst.add.f32.msk $0xffff, v2  }
0xfd: {  	s20 =	sor.u32 $0x400, s8;
	v2 =	vld [tilespmem:s17+$0x8000]  }
0xfe: {  	s21 =	sor.u32 $0x410, s2;
	[tilespmem:s20+$0x0] =	vst.add.f32.msk $0xffff, v3  }
0xff: {  	s10 =	sor.u32 $0x440, s1;
	v3 =	vld [tilespmem:s21+$0x8000]  }
0x100: {  	s13 =	sor.u32 $0x450, s6;
	[tilespmem:s10+$0x0] =	vst.add.f32.msk $0xffff, v1  }
0x101: {  	s23 =	sor.u32 $0x70, s9;
	v1 =	vld [tilespmem:s13+$0x8000]  }
0x102: {  	[tilespmem:s23+$0x0] =	vst.add.f32.msk $0xffff, v4;
	s26 =	sor.u32 $0x410, s7;
	s10 =	sadd.s32 $0x100, s11  }
0x103: {  	[tilespmem:s26+$0x0] =	vst.add.f32.msk $0xffff, v2;
	s15 =	sor.u32 $0x400, s10  }
0x104: {  	s5 =	sor.u32 $0x410, s8;
	v4 =	vld [tilespmem:s15+$0x8000]  }
0x105: {  	s18 =	sor.u32 $0x450, s1;
	[tilespmem:s5+$0x0] =	vst.add.f32.msk $0xffff, v3  }
0x106: {  	s19 =	sor.u32 $0x460, s6;
	[tilespmem:s18+$0x0] =	vst.add.f32.msk $0xffff, v1  }
0x107: {  	s14 =	sor.u32 $0x420, s2;
	v1 =	vld [tilespmem:s19+$0x8000]  }
0x108: {  	s22 =	sor.u32 $0x400, s9;
	v2 =	vld [tilespmem:s14+$0x8000]  }
0x109: {  	s23 =	sor.u32 $0x410, s10;
	[tilespmem:s22+$0x0] =	vst.add.f32.msk $0xffff, v4  }
0x10a: {  	v4 =	vld [tilespmem:s23+$0x8000]  }
0x10b: {  	s24 =	sor.u32 $0x460, s1  }
0x10c: {  	s11 =	sor.u32 $0x420, s12;
	[tilespmem:s24+$0x0] =	vst.add.f32.msk $0xffff, v1  }
0x10d: {  	s19 =	sor.u32 $0x420, s8;
	v1 =	vld [tilespmem:s11+$0x8000]  }
0x10e: {  	s13 =	sor.u32 $0x410, s9;
	[tilespmem:s19+$0x0] =	vst.add.f32.msk $0xffff, v2  }
0x10f: {  	s15 =	sor.u32 $0x420, s10;
	[tilespmem:s13+$0x0] =	vst.add.f32.msk $0xffff, v4  }
0x110: {  	s21 =	sor.u32 $0x430, s2;
	v3 =	vld [tilespmem:s15+$0x8000]  }
0x111: {  	s17 =	sor.u32 $0x420, s7;
	v2 =	vld [tilespmem:s21+$0x8000]  }
0x112: {  	s18 =	sor.u32 $0x430, s12;
	[tilespmem:s17+$0x0] =	vst.add.f32.msk $0xffff, v1  }
0x113: {  	s29 =	simm.s32 $0x4;
	s16 =	sor.u32 $0x470, s6;
	v1 =	vld [tilespmem:s18+$0x8000]  }
0x114: {  	p2 =	sgt.u32 s0, $0x4;
	s0 =	simm.s32 $0x1C806;
	s20 =	sor.u32 $0x420, s9;
	v4 =	vld [tilespmem:s16+$0x8000]  }
0x115: {  	s31 =	sor.u32 $0x470, s8;
	s4 =	sor.u32 $0x440, s8;
	s23 =	sor.u32 $0x430, s10;
	[tilespmem:s20+$0x0] =	vst.add.f32.msk $0xffff, v3  }
0x116: {  	s28 =	sor.u32 $0x450, s2;
	s1 =	sor.u32 $0x470, s1;
	s13 =	sor.u32 $0x430, s8;
	v3 =	vld [tilespmem:s23+$0x8000]  }
0x117: {  	s26 =	sor.u32 $0x440, s12;
	s6 =	sor.u32 $0x440, s9;
	s22 =	sor.u32 $0x430, s7;
	[tilespmem:s13+$0x0] =	vst.add.f32.msk $0xffff, v2  }
0x118: {  	s14 =	sor.u32 $0x430, s9;
	s3 =	sor.u32 $0x450, s10;
	s5 =	sor.u32 $0x460, s10;
	[tilespmem:s22+$0x0] =	vst.add.f32.msk $0xffff, v1  }
0x119: {  	s19 =	sor.u32 $0x450, s12;
	s21 =	sor.u32 $0x450, s8;
	s24 =	sor.u32 $0x440, s2;
	v1 =	vld [tilespmem:s26+$0x8000]  }
.Ltmp1:
0x11a: {  	s11 =	sor.u32 $0x460, s9;
	s16 =	sor.u32 $0x440, s7;
	[tilespmem:s1+$0x0] =	vst.add.f32.msk $0xffff, v4;
	(pc) =	sbr.rel @!p2 .LBB2_4-.Ltmp1, $4  }
0x11b: {  	s15 =	sor.u32 $0x440, s10;
	s13 =	sor.u32 $0x460, s8;
	s17 =	sor.u32 $0x460, s2;
	[tilespmem:s14+$0x0] =	vst.add.f32.msk $0xffff, v3  }
0x11c: {  	s2 =	sor.u32 $0x470, s2;
	s18 =	sor.u32 $0x460, s7;
	s20 =	sor.u32 $0x450, s7;
	v3 =	vld [tilespmem:s24+$0x8000]  }
0x11d: {  	s23 =	sor.u32 $0x470, s7;
	s26 =	sor.u32 $0x450, s9;
	s24 =	sor.u32 $0x470, s10;
	v4 =	vld [tilespmem:s15+$0x8000]  }
0x11e: {  	s10 =	sor.u32 $0x470, s9;
	s9 =	sor.u32 $0x460, s12;
	s12 =	sor.u32 $0x470, s12;
	[tilespmem:s16+$0x0] =	vst.add.f32.msk $0xffff, v1  }
0x11f: {  	[smem:$0x7F7] =	sst s25  }
0x120: {  	v1 =	vld [tilespmem:s0+$0x1];
	_ =	sdelay $0x1  }
0x121: {  	v2 =	vld [tilespmem:s0+$0xFFFFFFFE]  }
0x122: {  	v5 =	vld [tilespmem:s0+$0xFFFFFFFF]  }
0x123: {  	v6 =	vld [tilespmem:s0+$0x0]  }
0x124: {  	[tilespmem:s4+$0x0] =	vst.add.f32.msk $0xffff, v3;
	(v2sf) =	vpush v1, $0x0  }
0x125: {  	[tilespmem:s6+$0x0] =	vst.add.f32.msk $0xffff, v4  }
0x126: {  	v3 =	vld [tilespmem:s3+$0x8000];
	(v2sf) =	vpush v2, $0x0  }
0x127: {  	(v2sf) =	vpush v5, $0x0  }
0x128: {  	v1 =	vld [tilespmem:s19+$0x8000]  }
0x129: {  	(v2sf) =	vpush v6, $0x0  }
0x12a: {  	s16 =	simm.s32 $0x400;
	v2 =	vld [tilespmem:s28+$0x8000]  }
0x12b: {  	s1 =	simm.s32 $0x200;
	s7 =	sand.u32 $0x7FFFF800, s16;
	[tilespmem:s26+$0x0] =	vst.add.f32.msk $0xffff, v3  }
0x12c: {  	s1 =	sand.u32 $0x200, s1;
	s0 =	sadd.s32 $0x8000, s7;
	v3 =	vld [tilespmem:s5+$0x8000]  }
0x12d: {  	s5 =	sor.u32 s1, s0;
	[tilespmem:s20+$0x0] =	vst.add.f32.msk $0xffff, v1  }
0x12e: {  	v4 =	vld [tilespmem:s5+$0x180]  }
0x12f: {  	[tilespmem:s21+$0x0] =	vst.add.f32.msk $0xffff, v2  }
0x130: {  	s8 =	simm.s32 $0x280;
	v1 =	vld [tilespmem:s9+$0x8000]  }
0x131: {  	s9 =	sand.u32 $0x280, s8;
	v2 =	vld [tilespmem:s17+$0x8000];
	s17 =	simm.s32 $0x300  }
0x132: {  	v5 =	vld [tilespmem:s5+$0x0];
	s3 =	sor.u32 s9, s0;
	s14 =	sand.u32 $0x300, s17  }
0x133: {  	v6 =	vld [tilespmem:s3+$0x0];
	s4 =	sor.u32 s14, s0;
	s15 =	spop (v2sf)  }
0x134: {  	s0 =	rddreg [dreg:$0x4];
	[tilespmem:s11+$0x0] =	vst.add.f32.msk $0xffff, v3;
	s19 =	sshll.u32 s15, $0x8;
	s20 =	sshll.u32 s15, $0x7  }
0x135: {  	v7 =	vld [tilespmem:s4+$0x0];
	s7 =	spop (v2sf);
	s21 =	sand.u32 $0xFFFFF800, s19;
	s1 =	sand.u32 $0x380, s20  }
0x136: {  	[tilespmem:s18+$0x0] =	vst.add.f32.msk $0xffff, v1;
	s22 =	spop (v2sf);
	s8 =	sshll.u32 s7, $0x8;
	s7 =	sshll.u32 s7, $0x7  }
0x137: {  	[tilespmem:s13+$0x0] =	vst.add.f32.msk $0xffff, v2;
	s1 =	sor.u32 s1, s21;
	s25 =	sshll.u32 s22, $0x8;
	s6 =	sshll.u32 s22, $0x7  }
0x138: {  	s8 =	sand.u32 $0xFFFFF800, s8;
	s7 =	sand.u32 $0x380, s7;
	s26 =	spop (v2sf);
	[tilespmem:s1+$0x0] =	vst.add.f32.msk $0xffff, v4  }
0x139: {  	s9 =	sand.u32 $0xFFFFF800, s25;
	s6 =	sand.u32 $0x380, s6;
	s7 =	sor.u32 s7, s8;
	v1 =	vld [tilespmem:s5+$0x190]  }
0x13a: {  	s11 =	sshll.u32 s26, $0x8;
	s13 =	sshll.u32 s26, $0x7;
	[tilespmem:s7+$0x0] =	vst.add.f32.msk $0xffff, v5;
	s8 =	sor.u32 s6, s9  }
0x13b: {  	s6 =	sand.u32 $0xFFFFF800, s11;
	s9 =	sand.u32 $0x380, s13;
	[tilespmem:s8+$0x0] =	vst.add.f32.msk $0xffff, v6  }
0x13c: {  	s9 =	sor.u32 s9, s6;
	v2 =	vld [tilespmem:s5+$0x10]  }
0x13d: {  	[tilespmem:s9+$0x0] =	vst.add.f32.msk $0xffff, v7  }
0x13e: {  	v3 =	vld [tilespmem:s3+$0x10]  }
0x13f: {  	s14 =	sor.u32 $0x10, s1;
	v4 =	vld [tilespmem:s4+$0x10]  }
0x140: {  	[tilespmem:s14+$0x0] =	vst.add.f32.msk $0xffff, v1  }
0x141: {  	s18 =	sor.u32 $0x10, s7;
	v1 =	vld [tilespmem:s5+$0x1A0]  }
0x142: {  	s19 =	sor.u32 $0x10, s8;
	[tilespmem:s18+$0x0] =	vst.add.f32.msk $0xffff, v2  }
0x143: {  	[tilespmem:s19+$0x0] =	vst.add.f32.msk $0xffff, v3  }
0x144: {  	s20 =	sor.u32 $0x10, s9;
	v2 =	vld [tilespmem:s5+$0x20]  }
0x145: {  	s15 =	sor.u32 $0x20, s1;
	[tilespmem:s20+$0x0] =	vst.add.f32.msk $0xffff, v4  }
0x146: {  	[tilespmem:s15+$0x0] =	vst.add.f32.msk $0xffff, v1  }
0x147: {  	v1 =	vld [tilespmem:s5+$0x1B0]  }
0x148: {  	v3 =	vld [tilespmem:s3+$0x20]  }
0x149: {  	s22 =	sor.u32 $0x20, s7;
	v4 =	vld [tilespmem:s4+$0x20]  }
0x14a: {  	[tilespmem:s22+$0x0] =	vst.add.f32.msk $0xffff, v2  }
0x14b: {  	s21 =	sor.u32 $0x30, s1;
	v2 =	vld [tilespmem:s5+$0x30]  }
0x14c: {  	[tilespmem:s21+$0x0] =	vst.add.f32.msk $0xffff, v1  }
0x14d: {  	s25 =	smov.u32 s10;
	s10 =	sor.u32 $0x20, s8;
	v1 =	vld [tilespmem:s5+$0x1C0]  }
0x14e: {  	s11 =	sor.u32 $0x20, s9;
	[tilespmem:s10+$0x0] =	vst.add.f32.msk $0xffff, v3  }
0x14f: {  	[tilespmem:s11+$0x0] =	vst.add.f32.msk $0xffff, v4  }
0x150: {  	v3 =	vld [tilespmem:s3+$0x30]  }
0x151: {  	s26 =	sor.u32 $0x40, s1;
	v4 =	vld [tilespmem:s4+$0x30]  }
0x152: {  	[tilespmem:s26+$0x0] =	vst.add.f32.msk $0xffff, v1  }
0x153: {  	s14 =	sor.u32 $0x30, s7;
	v1 =	vld [tilespmem:s5+$0x1D0]  }
0x154: {  	s15 =	sor.u32 $0x30, s8;
	[tilespmem:s14+$0x0] =	vst.add.f32.msk $0xffff, v2  }
0x155: {  	[tilespmem:s15+$0x0] =	vst.add.f32.msk $0xffff, v3  }
0x156: {  	s18 =	sor.u32 $0x30, s9;
	v2 =	vld [tilespmem:s5+$0x40]  }
0x157: {  	s13 =	sor.u32 $0x50, s1;
	[tilespmem:s18+$0x0] =	vst.add.f32.msk $0xffff, v4  }
0x158: {  	[tilespmem:s13+$0x0] =	vst.add.f32.msk $0xffff, v1  }
0x159: {  	v1 =	vld [tilespmem:s5+$0x1E0]  }
0x15a: {  	v3 =	vld [tilespmem:s3+$0x40]  }
0x15b: {  	s20 =	sor.u32 $0x40, s7;
	v4 =	vld [tilespmem:s4+$0x40]  }
0x15c: {  	[tilespmem:s20+$0x0] =	vst.add.f32.msk $0xffff, v2  }
0x15d: {  	s19 =	sor.u32 $0x60, s1;
	v2 =	vld [tilespmem:s5+$0x50]  }
0x15e: {  	[tilespmem:s19+$0x0] =	vst.add.f32.msk $0xffff, v1  }
0x15f: {  	p2 =	por !p1, !p1;
	s6 =	simm.s32 $0x1;
	s26 =	sor.u32 $0x40, s8;
	v1 =	vld [tilespmem:s5+$0x1F0]  }
0x160: {  	s6 =	simm.s32 @!p2 $0x0;
	[tilespmem:s26+$0x0] =	vst.add.f32.msk $0xffff, v3  }
0x161: {  	s6 =	sshll.u32 s6, $0x9;
	v3 =	vld [tilespmem:s3+$0x50];
	s13 =	sor.u32 $0x40, s9  }
0x162: {  	s18 =	sadd.s32 $0x400, s6;
	[tilespmem:s13+$0x0] =	vst.add.f32.msk $0xffff, v4  }
0x163: {  	s21 =	sor.u32 $0x70, s1;
	s6 =	sadd.s32 $0x180, s18;
	v4 =	vld [tilespmem:s4+$0x50]  }
0x164: {  	s22 =	sor.u32 $0x400, s6;
	[tilespmem:s21+$0x0] =	vst.add.f32.msk $0xffff, v1  }
0x165: {  	s20 =	sor.u32 $0x50, s8;
	v1 =	vld [tilespmem:s22+$0x8000]  }
0x166: {  	[tilespmem:s20+$0x0] =	vst.add.f32.msk $0xffff, v3  }
0x167: {  	v3 =	vld [tilespmem:s3+$0x60];
	s19 =	sor.u32 $0x50, s7  }
0x168: {  	[tilespmem:s19+$0x0] =	vst.add.f32.msk $0xffff, v2  }
0x169: {  	s14 =	sor.u32 $0x400, s1;
	v2 =	vld [tilespmem:s5+$0x60]  }
0x16a: {  	s15 =	sor.u32 $0x410, s6;
	[tilespmem:s14+$0x0] =	vst.add.f32.msk $0xffff, v1  }
0x16b: {  	s21 =	sor.u32 $0x50, s9;
	v1 =	vld [tilespmem:s15+$0x8000]  }
0x16c: {  	[tilespmem:s21+$0x0] =	vst.add.f32.msk $0xffff, v4  }
0x16d: {  	s11 =	sor.u32 $0x60, s7;
	v4 =	vld [tilespmem:s4+$0x60]  }
0x16e: {  	[tilespmem:s11+$0x0] =	vst.add.f32.msk $0xffff, v2  }
0x16f: {  	s22 =	sor.u32 $0x410, s1;
	v2 =	vld [tilespmem:s5+$0x70]  }
0x170: {  	s26 =	sor.u32 $0x420, s6;
	[tilespmem:s22+$0x0] =	vst.add.f32.msk $0xffff, v1  }
0x171: {  	s19 =	sor.u32 $0x60, s9;
	v1 =	vld [tilespmem:s26+$0x8000]  }
0x172: {  	s15 =	sor.u32 $0x60, s8;
	[tilespmem:s19+$0x0] =	vst.add.f32.msk $0xffff, v4  }
0x173: {  	[tilespmem:s15+$0x0] =	vst.add.f32.msk $0xffff, v3  }
0x174: {  	v4 =	vld [tilespmem:s4+$0x70]  }
0x175: {  	s13 =	sor.u32 $0x420, s1;
	v3 =	vld [tilespmem:s3+$0x70]  }
0x176: {  	s5 =	sand.u32 $0x7, s29;
	s14 =	sor.u32 $0x430, s6;
	[tilespmem:s13+$0x0] =	vst.add.f32.msk $0xffff, v1  }
0x177: {  	s4 =	sshll.u32 s5, $0x7;
	s22 =	sor.u32 $0x70, s7;
	v1 =	vld [tilespmem:s14+$0x8000]  }
0x178: {  	s4 =	sadd.s32 $0x400, s4;
	[tilespmem:s22+$0x0] =	vst.add.f32.msk $0xffff, v2;
	s13 =	sor.u32 $0x400, s18  }
0x179: {  	s26 =	sor.u32 $0x70, s8;
	v2 =	vld [tilespmem:s13+$0x8000];
	s13 =	sadd.s32 $0x80, s4  }
0x17a: {  	[tilespmem:s26+$0x0] =	vst.add.f32.msk $0xffff, v3;
	s19 =	sor.u32 $0x400, s13  }
0x17b: {  	s20 =	sor.u32 $0x430, s1;
	v3 =	vld [tilespmem:s19+$0x8000]  }
0x17c: {  	s21 =	sor.u32 $0x440, s6;
	[tilespmem:s20+$0x0] =	vst.add.f32.msk $0xffff, v1  }
0x17d: {  	s10 =	sor.u32 $0x70, s9;
	s20 =	simm.s32 $0x2;
	v1 =	vld [tilespmem:s21+$0x8000]  }
0x17e: {  	[tilespmem:s10+$0x0] =	vst.add.f32.msk $0xffff, v4;
	s22 =	sor.u32 $0x400, s7;
	s11 =	sand.u32 $0x3, s20  }
0x17f: {  	s26 =	sor.u32 $0x410, s18;
	[tilespmem:s22+$0x0] =	vst.add.f32.msk $0xffff, v2;
	s3 =	sshll.u32 s11, $0x8  }
0x180: {  	v2 =	vld [tilespmem:s26+$0x8000];
	s11 =	sor.u32 $0x400, s8;
	s3 =	sadd.s32 $0x400, s3  }
0x181: {  	s14 =	sor.u32 $0x440, s1;
	[tilespmem:s11+$0x0] =	vst.add.f32.msk $0xffff, v3;
	s10 =	sadd.s32 $0x100, s3  }
0x182: {  	s21 =	sor.u32 $0x400, s10;
	[tilespmem:s14+$0x0] =	vst.add.f32.msk $0xffff, v1  }
0x183: {  	s15 =	sor.u32 $0x450, s6;
	v4 =	vld [tilespmem:s21+$0x8000]  }
0x184: {  	s26 =	sor.u32 $0x410, s7;
	v1 =	vld [tilespmem:s15+$0x8000]  }
0x185: {  	s11 =	sor.u32 $0x420, s18;
	[tilespmem:s26+$0x0] =	vst.add.f32.msk $0xffff, v2  }
0x186: {  	s15 =	sor.u32 $0x410, s13;
	v2 =	vld [tilespmem:s11+$0x8000]  }
0x187: {  	s14 =	sor.u32 $0x400, s9;
	v3 =	vld [tilespmem:s15+$0x8000]  }
0x188: {  	s4 =	sor.u32 $0x450, s1;
	[tilespmem:s14+$0x0] =	vst.add.f32.msk $0xffff, v4  }
0x189: {  	s19 =	sor.u32 $0x410, s10;
	[tilespmem:s4+$0x0] =	vst.add.f32.msk $0xffff, v1  }
0x18a: {  	s5 =	sor.u32 $0x460, s6;
	v4 =	vld [tilespmem:s19+$0x8000]  }
0x18b: {  	s19 =	sor.u32 $0x420, s7;
	v1 =	vld [tilespmem:s5+$0x8000]  }
0x18c: {  	s5 =	sor.u32 $0x410, s8;
	[tilespmem:s19+$0x0] =	vst.add.f32.msk $0xffff, v2  }
0x18d: {  	s14 =	sor.u32 $0x420, s13;
	[tilespmem:s5+$0x0] =	vst.add.f32.msk $0xffff, v3  }
0x18e: {  	s22 =	sor.u32 $0x470, s6;
	s6 =	sor.u32 $0x410, s9;
	v3 =	vld [tilespmem:s14+$0x8000]  }
0x18f: {  	s21 =	sor.u32 $0x460, s1;
	[tilespmem:s6+$0x0] =	vst.add.f32.msk $0xffff, v4  }
0x190: {  	s15 =	sor.u32 $0x420, s10;
	[tilespmem:s21+$0x0] =	vst.add.f32.msk $0xffff, v1  }
0x191: {  	v4 =	vld [tilespmem:s15+$0x8000]  }
0x192: {  	s21 =	sor.u32 $0x430, s18;
	v1 =	vld [tilespmem:s22+$0x8000]  }
0x193: {  	s22 =	sor.u32 $0x420, s8;
	v2 =	vld [tilespmem:s21+$0x8000]  }
0x194: {  	s4 =	sor.u32 $0x430, s13;
	[tilespmem:s22+$0x0] =	vst.add.f32.msk $0xffff, v3  }
0x195: {  	s26 =	sor.u32 $0x420, s9;
	v3 =	vld [tilespmem:s4+$0x8000]  }
0x196: {  	s1 =	sor.u32 $0x470, s1;
	[tilespmem:s26+$0x0] =	vst.add.f32.msk $0xffff, v4  }
0x197: {  	s30 =	simm.s32 $0x1C80A;
	[tilespmem:s1+$0x0] =	vst.add.f32.msk $0xffff, v1  }
0x198: {  	p1 =	por $0x1, $0x1;
	p3 =	sgt.u32 s0, $0x8;
	s5 =	sor.u32 $0x430, s7;
	v1 =	vld [tilespmem:s12+$0x8000]  }
0x199: {  	s0 =	sor.u32 $0x440, s13;
	s19 =	sor.u32 $0x450, s7;
	s6 =	sor.u32 $0x430, s10;
	[tilespmem:s5+$0x0] =	vst.add.f32.msk $0xffff, v2  }
0x19a: {  	s11 =	sor.u32 $0x440, s18;
	s26 =	sor.u32 $0x450, s8;
	v4 =	vld [tilespmem:s6+$0x8000];
	[dreg:$0xd] =	wrdreg s19  }
0x19b: {  	s28 =	sor.u32 $0x450, s13;
	s5 =	sor.u32 $0x460, s13;
	v5 =	vld [tilespmem:s11+$0x8000];
	[dreg:$0xe] =	wrdreg s26  }
0x19c: {  	s3 =	sor.u32 $0x450, s10;
	[dreg:$0xc] =	wrdreg s5;
	s11 =	sor.u32 $0x460, s7  }
0x19d: {  	s14 =	sor.u32 $0x430, s9;
	s12 =	sor.u32 $0x430, s8;
	v2 =	vld [tilespmem:s2+$0x8000];
	[dreg:$0xa] =	wrdreg s11  }
0x19e: {  	s15 =	sor.u32 $0x440, s10;
	s21 =	simm.s32 $0x8;
	[tilespmem:s12+$0x0] =	vst.add.f32.msk $0xffff, v3;
	s12 =	sor.u32 $0x460, s8  }
0x19f: {  	s22 =	sor.u32 $0x440, s7;
	s4 =	sor.u32 $0x440, s8;
	[dreg:$0x9] =	wrdreg s12  }
.Ltmp2:
0x1a0: {  	s6 =	sor.u32 $0x440, s9;
	[tilespmem:s14+$0x0] =	vst.add.f32.msk $0xffff, v4;
	s14 =	sor.u32 $0x470, s8;
	(pc) =	sbr.rel @!p3 .LBB2_6-.Ltmp2, $4  }
0x1a1: {  	s19 =	sor.u32 $0x470, s9;
	s26 =	sor.u32 $0x450, s9;
	[dreg:$0x5] =	wrdreg s14  }
0x1a2: {  	s5 =	sor.u32 $0x460, s10;
	s2 =	sor.u32 $0x470, s13;
	v3 =	vld [tilespmem:s0+$0x8000];
	[dreg:$0x6] =	wrdreg s19  }
0x1a3: {  	s11 =	sor.u32 $0x460, s9;
	s13 =	sor.u32 $0x470, s7;
	s9 =	sor.u32 $0x460, s18;
	v4 =	vld [tilespmem:s15+$0x8000]  }
0x1a4: {  	s12 =	sor.u32 $0x470, s18;
	s14 =	sor.u32 $0x470, s10;
	s19 =	sor.u32 $0x450, s18;
	[tilespmem:s22+$0x0] =	vst.add.f32.msk $0xffff, v5  }
.LBB2_7:
0x1a5: {  	v5 =	vld [tilespmem:s30+$0x1];
	_ =	sdelay $0x1  }
0x1a6: {  	v6 =	vld [tilespmem:s30+$0xFFFFFFFE]  }
0x1a7: {  	v7 =	vld [tilespmem:s30+$0xFFFFFFFF]  }
0x1a8: {  	v8 =	vld [tilespmem:s30+$0x0]  }
0x1a9: {  	(v2sf) =	vpush v5, $0x0;
	_ =	sdelay $0x1  }
0x1aa: {  	[dreg:$0xb] =	wrdreg s12;
	(v2sf) =	vpush v6, $0x0  }
0x1ab: {  	[dreg:$0x8] =	wrdreg s2;
	[tilespmem:s4+$0x0] =	vst.add.f32.msk $0xffff, v3;
	(v2sf) =	vpush v7, $0x0  }
0x1ac: {  	s0 =	rddreg [dreg:$0x4];
	[tilespmem:s6+$0x0] =	vst.add.f32.msk $0xffff, v4;
	(v2sf) =	vpush v8, $0x0  }
0x1ad: {  	s21 =	sadd.s32 $0x4, s21;
	s7 =	rddreg [dreg:$0xe];
	v3 =	vld [tilespmem:s19+$0x8000]  }
0x1ae: {  	s20 =	sadd.s32 $0x2, s20;
	s29 =	sadd.s32 $0x4, s29;
	s10 =	rddreg [dreg:$0xc];
	[tilespmem:s23+$0x0] =	vst.add.f32.msk $0xffff, v1  }
0x1af: {  	s17 =	sadd.s32 $0x200, s17;
	s16 =	sadd.s32 $0x400, s16;
	p3 =	slt.u32 s21, s0;
	v4 =	vld [tilespmem:s28+$0x8000]  }
0x1b0: {  	s8 =	sand.u32 $0x3, s20;
	s1 =	sand.u32 $0x7, s29;
	s12 =	sand.u32 $0x7FFFF800, s16;
	v5 =	vld [tilespmem:s3+$0x8000]  }
0x1b1: {  	s0 =	sshll.u32 s8, $0x8;
	s1 =	sshll.u32 s1, $0x7;
	s6 =	rddreg [dreg:$0xd];
	v6 =	vld [tilespmem:s24+$0x8000]  }
0x1b2: {  	s15 =	sadd.s32 $0x8000, s12;
	s0 =	sadd.s32 s16, s0;
	s1 =	sadd.s32 s16, s1;
	[tilespmem:s6+$0x0] =	vst.add.f32.msk $0xffff, v3  }
0x1b3: {  	s4 =	smov.u32 s13;
	s13 =	sadd.s32 $0xFFFFFF00, s17;
	s3 =	smov.u32 s14;
	v1 =	vld [tilespmem:s9+$0x8000]  }
0x1b4: {  	s19 =	sand.u32 $0x300, s17;
	[dreg:$0x7] =	wrdreg s3;
	s3 =	sand.u32 $0x200, s13;
	[tilespmem:s7+$0x0] =	vst.add.f32.msk $0xffff, v4  }
0x1b5: {  	[dreg:$0xf] =	wrdreg s4;
	s14 =	sadd.s32 $0xFFFFFF80, s17;
	s8 =	sor.u32 s3, s15;
	[tilespmem:s26+$0x0] =	vst.add.f32.msk $0xffff, v5  }
0x1b6: {  	s12 =	sor.u32 s19, s15;
	s18 =	sand.u32 $0x280, s14;
	s13 =	sadd.s32 $0x80, s1;
	v5 =	vld [tilespmem:s8+$0x0]  }
0x1b7: {  	s2 =	sor.u32 s18, s15;
	v3 =	vld [tilespmem:s10+$0x8000];
	s10 =	rddreg [dreg:$0xa];
	s22 =	spop (v2sf)  }
0x1b8: {  	s9 =	sadd.s32 $0x100, s0;
	[tilespmem:s10+$0x0] =	vst.add.f32.msk $0xffff, v1;
	s10 =	rddreg [dreg:$0x9];
	s23 =	sshll.u32 s22, $0x8  }
0x1b9: {  	v4 =	vld [tilespmem:s5+$0x8000];
	s0 =	sshll.u32 s22, $0x7;
	s24 =	spop (v2sf);
	s1 =	sand.u32 $0xFFFFF800, s23  }
0x1ba: {  	[tilespmem:s25+$0x0] =	vst.add.f32.msk $0xffff, v6;
	s0 =	sand.u32 $0x380, s0;
	s25 =	spop (v2sf);
	s26 =	sshll.u32 s24, $0x8  }
0x1bb: {  	s14 =	sshll.u32 s24, $0x7;
	s7 =	sor.u32 s0, s1;
	s6 =	spop (v2sf)  }
0x1bc: {  	[tilespmem:s31+$0x0] =	vst.add.f32.msk $0xffff, v2;
	s15 =	sshll.u32 s25, $0x8;
	s4 =	sshll.u32 s25, $0x7;
	s5 =	sand.u32 $0xFFFFF800, s26  }
0x1bd: {  	v2 =	vld [tilespmem:s8+$0x180];
	s1 =	sand.u32 $0x380, s14;
	s18 =	sshll.u32 s6, $0x8;
	s0 =	sshll.u32 s6, $0x7  }
0x1be: {  	s14 =	sor.u32 s1, s5;
	s19 =	sand.u32 $0xFFFFF800, s18;
	s0 =	sand.u32 $0x380, s0  }
0x1bf: {  	s3 =	sand.u32 $0xFFFFF800, s15;
	s26 =	sor.u32 $0x50, s14;
	s25 =	sor.u32 s0, s19  }
0x1c0: {  	v7 =	vld [tilespmem:s12+$0x0];
	s4 =	sand.u32 $0x380, s4;
	[smem:$0x7E5] =	sst s26;
	s23 =	sor.u32 $0x40, s25  }
0x1c1: {  	[tilespmem:s11+$0x0] =	vst.add.f32.msk $0xffff, v4;
	s1 =	sor.u32 s4, s3;
	s26 =	sor.u32 $0x50, s25;
	[smem:$0x7E4] =	sst s23  }
0x1c2: {  	[tilespmem:s7+$0x0] =	vst.add.f32.msk $0xffff, v2;
	s23 =	sor.u32 $0x50, s1;
	[smem:$0x7E7] =	sst s26  }
0x1c3: {  	v1 =	vld [tilespmem:s8+$0x190];
	s26 =	sor.u32 $0x60, s1;
	[smem:$0x7E6] =	sst s23  }
0x1c4: {  	[tilespmem:s14+$0x0] =	vst.add.f32.msk $0xffff, v5;
	s23 =	sor.u32 $0x60, s14;
	[smem:$0x7E9] =	sst s26  }
0x1c5: {  	v2 =	vld [tilespmem:s8+$0x10];
	s26 =	sor.u32 $0x70, s14;
	[smem:$0x7E8] =	sst s23  }
0x1c6: {  	[tilespmem:s25+$0x0] =	vst.add.f32.msk $0xffff, v7;
	s23 =	sor.u32 $0x60, s25;
	[smem:$0x7EB] =	sst s26  }
0x1c7: {  	s22 =	sor.u32 $0x10, s7;
	v4 =	vld [tilespmem:s12+$0x10];
	s26 =	sor.u32 $0x400, s13;
	[smem:$0x7EA] =	sst s23  }
0x1c8: {  	[tilespmem:s22+$0x0] =	vst.add.f32.msk $0xffff, v1;
	s23 =	sor.u32 $0x70, s1;
	[smem:$0x7EE] =	sst s26  }
0x1c9: {  	s6 =	sor.u32 $0x10, s14;
	v1 =	vld [tilespmem:s8+$0x1A0];
	s26 =	sor.u32 $0x70, s25;
	[smem:$0x7EC] =	sst s23  }
0x1ca: {  	[tilespmem:s6+$0x0] =	vst.add.f32.msk $0xffff, v2;
	s6 =	sor.u32 $0x410, s9;
	[smem:$0x7ED] =	sst s26  }
0x1cb: {  	s26 =	sor.u32 $0x400, s9;
	[smem:$0x7F4] =	sst s6  }
0x1cc: {  	s23 =	sor.u32 $0x400, s1;
	[smem:$0x7EF] =	sst s26  }
0x1cd: {  	v6 =	vld [tilespmem:s2+$0x0];
	s4 =	sor.u32 $0x10, s25;
	s6 =	sor.u32 $0x420, s14;
	[smem:$0x7F1] =	sst s23  }
0x1ce: {  	s5 =	sor.u32 $0x20, s7;
	s26 =	sor.u32 $0x400, s14;
	[dreg:$0x18] =	wrdreg s6;
	[tilespmem:s4+$0x0] =	vst.add.f32.msk $0xffff, v4  }
0x1cf: {  	s23 =	sor.u32 $0x410, s14;
	[smem:$0x7F0] =	sst s26;
	[tilespmem:s5+$0x0] =	vst.add.f32.msk $0xffff, v1  }
0x1d0: {  	s4 =	sor.u32 $0x430, s13;
	[dreg:$0x1d] =	wrdreg s23;
	v1 =	vld [tilespmem:s8+$0x1B0]  }
0x1d1: {  	s26 =	sor.u32 $0x400, s25;
	[dreg:$0x17] =	wrdreg s4  }
0x1d2: {  	[tilespmem:s10+$0x0] =	vst.add.f32.msk $0xffff, v3;
	s23 =	sor.u32 $0x410, s1;
	[smem:$0x7F2] =	sst s26  }
0x1d3: {  	[tilespmem:s1+$0x0] =	vst.add.f32.msk $0xffff, v6;
	s4 =	sor.u32 $0x440, s14;
	[dreg:$0x1e] =	wrdreg s23  }
0x1d4: {  	v3 =	vld [tilespmem:s2+$0x10];
	s6 =	sor.u32 $0x30, s7;
	s26 =	sor.u32 $0x410, s13;
	[dreg:$0x13] =	wrdreg s4  }
0x1d5: {  	p2 =	por !p2, !p2;
	s23 =	sor.u32 $0x420, s1;
	[smem:$0x7F3] =	sst s26;
	[tilespmem:s6+$0x0] =	vst.add.f32.msk $0xffff, v1  }
0x1d6: {  	s28 =	sor.u32 $0x450, s13;
	s26 =	sor.u32 $0x420, s13;
	[dreg:$0x15] =	wrdreg s23;
	v1 =	vld [tilespmem:s8+$0x1C0]  }
0x1d7: {  	s11 =	sor.u32 $0x20, s14;
	s23 =	sor.u32 $0x430, s14;
	[dreg:$0x1b] =	wrdreg s26  }
0x1d8: {  	s3 =	sor.u32 $0x10, s1;
	v2 =	vld [tilespmem:s8+$0x20];
	[dreg:$0x16] =	wrdreg s23;
	s23 =	sor.u32 $0x430, s25  }
0x1d9: {  	s24 =	sor.u32 $0x30, s14;
	[tilespmem:s3+$0x0] =	vst.add.f32.msk $0xffff, v3;
	[dreg:$0x14] =	wrdreg s23;
	s23 =	sor.u32 $0x450, s1  }
0x1da: {  	v3 =	vld [tilespmem:s2+$0x20];
	s5 =	sor.u32 $0x410, s25;
	[dreg:$0xe] =	wrdreg s23;
	s23 =	sor.u32 $0x40, s7  }
0x1db: {  	s10 =	sor.u32 $0x20, s1;
	[dreg:$0x1f] =	wrdreg s5;
	s26 =	sor.u32 $0x420, s9;
	[tilespmem:s23+$0x0] =	vst.add.f32.msk $0xffff, v1  }
0x1dc: {  	s19 =	sor.u32 $0x40, s14;
	s5 =	sor.u32 $0x420, s25;
	[dreg:$0x1c] =	wrdreg s26;
	v1 =	vld [tilespmem:s8+$0x1D0]  }
0x1dd: {  	s18 =	sor.u32 $0x40, s1;
	[tilespmem:s11+$0x0] =	vst.add.f32.msk $0xffff, v2;
	s11 =	sor.u32 $0x460, s14;
	[dreg:$0x19] =	wrdreg s5  }
0x1de: {  	s0 =	sor.u32 $0x20, s25;
	v4 =	vld [tilespmem:s12+$0x20];
	s26 =	sor.u32 $0x430, s1;
	[dreg:$0xa] =	wrdreg s11  }
0x1df: {  	s15 =	sor.u32 $0x30, s25;
	s5 =	sor.u32 $0x430, s9;
	v2 =	vld [tilespmem:s8+$0x30];
	[dreg:$0x10] =	wrdreg s26  }
0x1e0: {  	s11 =	sor.u32 $0x460, s1;
	[tilespmem:s10+$0x0] =	vst.add.f32.msk $0xffff, v3;
	s10 =	sor.u32 $0x50, s7;
	[dreg:$0x1a] =	wrdreg s5  }
0x1e1: {  	s22 =	sor.u32 $0x30, s1;
	s3 =	sor.u32 $0x450, s9;
	[dreg:$0x9] =	wrdreg s11;
	[tilespmem:s10+$0x0] =	vst.add.f32.msk $0xffff, v1  }
0x1e2: {  	s4 =	sor.u32 $0x440, s1;
	s26 =	sor.u32 $0x440, s9;
	s11 =	rddreg [dreg:$0x5];
	v1 =	vld [tilespmem:s8+$0x1E0]  }
0x1e3: {  	s1 =	sor.u32 $0x470, s1;
	s5 =	sor.u32 $0x450, s14;
	[tilespmem:s0+$0x0] =	vst.add.f32.msk $0xffff, v4;
	[dreg:$0x12] =	wrdreg s26  }
0x1e4: {  	v3 =	vld [tilespmem:s2+$0x30];
	s0 =	simm.s32 $0x1;
	[dreg:$0xd] =	wrdreg s5;
	s26 =	sor.u32 $0x460, s13  }
0x1e5: {  	s5 =	sor.u32 $0x460, s9;
	v4 =	vld [tilespmem:s12+$0x30];
	[dreg:$0xc] =	wrdreg s26;
	s23 =	smov.u32 s1  }
0x1e6: {  	s6 =	sor.u32 $0x440, s13;
	[tilespmem:s24+$0x0] =	vst.add.f32.msk $0xffff, v2;
	[dreg:$0x5] =	wrdreg s23;
	s23 =	sor.u32 $0x60, s7  }
0x1e7: {  	s0 =	simm.s32 @!p2 $0x0;
	s13 =	sor.u32 $0x470, s13;
	[dreg:$0x11] =	wrdreg s6;
	[tilespmem:s23+$0x0] =	vst.add.f32.msk $0xffff, v1  }
0x1e8: {  	s26 =	sor.u32 $0x450, s25;
	[smem:$0x7F6] =	sst s13;
	s13 =	sor.u32 $0x460, s25;
	v1 =	vld [tilespmem:s8+$0x1F0]  }
0x1e9: {  	s0 =	sshll.u32 s0, $0x9;
	s6 =	sor.u32 $0x440, s25;
	[smem:$0x7F5] =	sst s13;
	[tilespmem:s22+$0x0] =	vst.add.f32.msk $0xffff, v3  }
0x1ea: {  	s13 =	sor.u32 $0x470, s14;
	s14 =	sor.u32 $0x470, s9;
	s9 =	sor.u32 $0x470, s25;
	v2 =	vld [tilespmem:s8+$0x40]  }
0x1eb: {  	s25 =	rddreg [dreg:$0x6];
	v3 =	vld [tilespmem:s2+$0x40];
	s1 =	smov.u32 s9;
	s23 =	sadd.s32 s0, s16  }
0x1ec: {  	s24 =	sor.u32 $0x70, s7;
	[tilespmem:s15+$0x0] =	vst.add.f32.msk $0xffff, v4;
	[dreg:$0x6] =	wrdreg s1;
	s1 =	sadd.s32 $0x180, s23  }
0x1ed: {  	s31 =	smov.u32 s11;
	s11 =	smov.u32 s25;
	s25 =	sor.u32 $0x400, s1;
	[tilespmem:s24+$0x0] =	vst.add.f32.msk $0xffff, v1  }
0x1ee: {  	v1 =	vld [tilespmem:s25+$0x8000]  }
0x1ef: {  	v4 =	vld [tilespmem:s12+$0x40]  }
0x1f0: {  	[tilespmem:s18+$0x0] =	vst.add.f32.msk $0xffff, v3;
	s18 =	sor.u32 $0x400, s7;
	s10 =	sor.u32 $0x400, s23  }
0x1f1: {  	[tilespmem:s19+$0x0] =	vst.add.f32.msk $0xffff, v2;
	s0 =	sor.u32 $0x410, s23;
	s15 =	sor.u32 $0x420, s23;
	s22 =	sor.u32 $0x430, s23  }
0x1f2: {  	v2 =	vld [tilespmem:s8+$0x50];
	s19 =	sor.u32 $0x450, s23;
	s9 =	sor.u32 $0x460, s23;
	s24 =	sor.u32 $0x440, s23  }
0x1f3: {  	s25 =	sor.u32 $0x470, s23;
	s23 =	sld [smem:$0x7E4];
	[tilespmem:s18+$0x0] =	vst.add.f32.msk $0xffff, v1;
	s18 =	sor.u32 $0x410, s1  }
0x1f4: {  	v1 =	vld [tilespmem:s18+$0x8000];
	s18 =	sld [smem:$0x7E5]  }
0x1f5: {  	v3 =	vld [tilespmem:s2+$0x50]  }
0x1f6: {  	[tilespmem:s23+$0x0] =	vst.add.f32.msk $0xffff, v4  }
0x1f7: {  	[tilespmem:s18+$0x0] =	vst.add.f32.msk $0xffff, v2;
	s18 =	sld [smem:$0x7E6]  }
0x1f8: {  	v4 =	vld [tilespmem:s12+$0x50];
	_ =	sdelay $0x1  }
0x1f9: {  	[tilespmem:s18+$0x0] =	vst.add.f32.msk $0xffff, v3;
	s18 =	sld [smem:$0x7E7];
	_ =	sdelay $0x1  }
0x1fa: {  	v2 =	vld [tilespmem:s8+$0x60]  }
0x1fb: {  	[tilespmem:s18+$0x0] =	vst.add.f32.msk $0xffff, v4;
	s18 =	sor.u32 $0x410, s7  }
0x1fc: {  	[tilespmem:s18+$0x0] =	vst.add.f32.msk $0xffff, v1;
	s18 =	sor.u32 $0x420, s1  }
0x1fd: {  	v1 =	vld [tilespmem:s18+$0x8000]  }
0x1fe: {  	s18 =	sld [smem:$0x7E8];
	_ =	sdelay $0x1  }
0x1ff: {  	v3 =	vld [tilespmem:s2+$0x60]  }
0x200: {  	[tilespmem:s18+$0x0] =	vst.add.f32.msk $0xffff, v2;
	s18 =	sor.u32 $0x420, s7  }
0x201: {  	[tilespmem:s18+$0x0] =	vst.add.f32.msk $0xffff, v1;
	s18 =	sor.u32 $0x430, s1  }
0x202: {  	v1 =	vld [tilespmem:s18+$0x8000];
	s18 =	sld [smem:$0x7E9]  }
0x203: {  	v4 =	vld [tilespmem:s12+$0x60];
	_ =	sdelay $0x1  }
0x204: {  	[tilespmem:s18+$0x0] =	vst.add.f32.msk $0xffff, v3;
	s18 =	sld [smem:$0x7EA]  }
0x205: {  	v2 =	vld [tilespmem:s8+$0x70]  }
0x206: {  	v3 =	vld [tilespmem:s2+$0x70]  }
0x207: {  	[tilespmem:s18+$0x0] =	vst.add.f32.msk $0xffff, v4  }
0x208: {  	s18 =	sor.u32 $0x430, s7;
	v4 =	vld [tilespmem:s12+$0x70];
	s12 =	sld [smem:$0x7EB]  }
0x209: {  	s8 =	sor.u32 $0x440, s1;
	[tilespmem:s18+$0x0] =	vst.add.f32.msk $0xffff, v1;
	s18 =	sld [smem:$0x7EC]  }
0x20a: {  	v1 =	vld [tilespmem:s8+$0x8000]  }
0x20b: {  	s8 =	sld [smem:$0x7ED];
	[tilespmem:s12+$0x0] =	vst.add.f32.msk $0xffff, v2  }
0x20c: {  	[tilespmem:s18+$0x0] =	vst.add.f32.msk $0xffff, v3  }
0x20d: {  	s18 =	sld [smem:$0x7EE];
	v2 =	vld [tilespmem:s10+$0x8000]  }
0x20e: {  	s10 =	sor.u32 $0x440, s7;
	[tilespmem:s8+$0x0] =	vst.add.f32.msk $0xffff, v4  }
0x20f: {  	s8 =	sld [smem:$0x7EF];
	[tilespmem:s10+$0x0] =	vst.add.f32.msk $0xffff, v1  }
0x210: {  	s12 =	sor.u32 $0x450, s1;
	v3 =	vld [tilespmem:s18+$0x8000];
	s10 =	sld [smem:$0x7F0]  }
0x211: {  	v1 =	vld [tilespmem:s12+$0x8000]  }
0x212: {  	s2 =	sld [smem:$0x7F1];
	v4 =	vld [tilespmem:s8+$0x8000]  }
0x213: {  	[tilespmem:s10+$0x0] =	vst.add.f32.msk $0xffff, v2  }
0x214: {  	s10 =	sld [smem:$0x7F3];
	v2 =	vld [tilespmem:s0+$0x8000]  }
0x215: {  	s12 =	sor.u32 $0x450, s7;
	[tilespmem:s2+$0x0] =	vst.add.f32.msk $0xffff, v3  }
0x216: {  	s8 =	sld [smem:$0x7F2];
	[tilespmem:s12+$0x0] =	vst.add.f32.msk $0xffff, v1  }
0x217: {  	s18 =	sor.u32 $0x460, s1;
	v3 =	vld [tilespmem:s10+$0x8000];
	s12 =	sld [smem:$0x7F4]  }
0x218: {  	v1 =	vld [tilespmem:s18+$0x8000]  }
0x219: {  	[tilespmem:s8+$0x0] =	vst.add.f32.msk $0xffff, v4  }
0x21a: {  	s8 =	rddreg [dreg:$0x1d];
	v4 =	vld [tilespmem:s12+$0x8000]  }
0x21b: {  	[tilespmem:s8+$0x0] =	vst.add.f32.msk $0xffff, v2  }
0x21c: {  	s18 =	sor.u32 $0x460, s7;
	v2 =	vld [tilespmem:s15+$0x8000]  }
0x21d: {  	s2 =	sor.u32 $0x470, s1;
	[tilespmem:s18+$0x0] =	vst.add.f32.msk $0xffff, v1  }
0x21e: {  	s10 =	rddreg [dreg:$0x1e];
	v1 =	vld [tilespmem:s2+$0x8000]  }
0x21f: {  	s1 =	rddreg [dreg:$0x1b];
	[tilespmem:s10+$0x0] =	vst.add.f32.msk $0xffff, v3  }
0x220: {  	s12 =	rddreg [dreg:$0x1f];
	v3 =	vld [tilespmem:s1+$0x8000]  }
0x221: {  	s2 =	rddreg [dreg:$0x1c];
	[tilespmem:s12+$0x0] =	vst.add.f32.msk $0xffff, v4  }
0x222: {  	s23 =	rddreg [dreg:$0xf];
	s18 =	sor.u32 $0x470, s7;
	v4 =	vld [tilespmem:s2+$0x8000]  }
0x223: {  	s7 =	rddreg [dreg:$0xb];
	[tilespmem:s18+$0x0] =	vst.add.f32.msk $0xffff, v1  }
0x224: {  	s8 =	rddreg [dreg:$0x18];
	v1 =	vld [tilespmem:s7+$0x8000]  }
0x225: {  	s15 =	rddreg [dreg:$0x19];
	[tilespmem:s8+$0x0] =	vst.add.f32.msk $0xffff, v2  }
0x226: {  	s10 =	rddreg [dreg:$0x15];
	v2 =	vld [tilespmem:s22+$0x8000]  }
0x227: {  	[tilespmem:s10+$0x0] =	vst.add.f32.msk $0xffff, v3;
	s18 =	rddreg [dreg:$0x17]  }
0x228: {  	s1 =	rddreg [dreg:$0x16];
	v3 =	vld [tilespmem:s18+$0x8000]  }
0x229: {  	s22 =	rddreg [dreg:$0x1a];
	[tilespmem:s15+$0x0] =	vst.add.f32.msk $0xffff, v4  }
0x22a: {  	s12 =	smov.u32 s25;
	s25 =	smov.u32 s11;
	s11 =	sld [smem:$0x7F5];
	v4 =	vld [tilespmem:s22+$0x8000]  }
0x22b: {  	s2 =	rddreg [dreg:$0x8];
	[tilespmem:s1+$0x0] =	vst.add.f32.msk $0xffff, v2  }
0x22c: {  	s10 =	rddreg [dreg:$0x14];
	v2 =	vld [tilespmem:s2+$0x8000]  }
0x22d: {  	s8 =	rddreg [dreg:$0x10];
	v5 =	vld [tilespmem:s24+$0x8000]  }
.Ltmp3:
0x22e: {  	s15 =	rddreg [dreg:$0x11];
	[tilespmem:s8+$0x0] =	vst.add.f32.msk $0xffff, v3;
	(pc) =	sbr.rel @p3 .LBB2_7-.Ltmp3, $4  }
0x22f: {  	s7 =	sld [smem:$0x7F6];
	v3 =	vld [tilespmem:s15+$0x8000]  }
0x230: {  	s18 =	rddreg [dreg:$0x12];
	[tilespmem:s10+$0x0] =	vst.add.f32.msk $0xffff, v4  }
0x231: {  	s22 =	rddreg [dreg:$0x13];
	v4 =	vld [tilespmem:s18+$0x8000]  }
0x232: {  	s30 =	sadd.s32 $0x4, s30;
	s2 =	smov.u32 s7;
	s24 =	rddreg [dreg:$0x7];
	[tilespmem:s22+$0x0] =	vst.add.f32.msk $0xffff, v5  }
0x233: {  	s1 =	smov.u32 s31;
	s31 =	rddreg [dreg:$0x5]  }
0x234: {  	s10 =	rddreg [dreg:$0x6]  }
0x235: {  	s7 =	smov.u32 s25;
	s25 =	sld [smem:$0x7F7]  }
0x236: {  	s8 =	smov.u32 s23;
	s23 =	smov.u32 s13;
	s13 =	rddreg [dreg:$0x9]  }
0x237: {  	s18 =	rddreg [dreg:$0xa]  }
0x238: {  	s17 =	rddreg [dreg:$0xc]  }
0x239: {  	s0 =	smov.u32 s24;
	s24 =	smov.u32 s14;
	s20 =	rddreg [dreg:$0xd]  }
0x23a: {  	s29 =	simm.s32 $0x0;
	s30 =	simm.s32 $0x1;
	s21 =	rddreg [dreg:$0xe]  }
.LBB2_9:
0x23b: {  	[tilespmem:s4+$0x0] =	vst.add.f32.msk $0xffff, v3  }
0x23c: {  	[tilespmem:s6+$0x0] =	vst.add.f32.msk $0xffff, v4  }
0x23d: {  	v3 =	vld [tilespmem:s19+$0x8000]  }
0x23e: {  	v62 =	vld [tilespmem:s28+$0x8000]  }
0x23f: {  	v5 =	vld [tilespmem:s3+$0x8000];
	_ =	sdelay $0x2  }
0x240: {  	[tilespmem:s20+$0x0] =	vst.add.f32.msk $0xffff, v3  }
0x241: {  	[tilespmem:s21+$0x0] =	vst.add.f32.msk $0xffff, v62  }
0x242: {  	[tilespmem:s26+$0x0] =	vst.add.f32.msk $0xffff, v5  }
0x243: {  	v3 =	vld [tilespmem:s9+$0x8000]  }
0x244: {  	v4 =	vld [tilespmem:s17+$0x8000]  }
0x245: {  	v5 =	vld [tilespmem:s5+$0x8000]  }
0x246: {  	v6 =	vld @p1 [tilespmem:s0+$0x8000]  }
0x247: {  	[tilespmem:s8+$0x0] =	vst.add.f32.msk @p1 $0xffff, v1  }
0x248: {  	[tilespmem:s18+$0x0] =	vst.add.f32.msk $0xffff, v3  }
0x249: {  	[tilespmem:s13+$0x0] =	vst.add.f32.msk $0xffff, v4  }
0x24a: {  	[tilespmem:s11+$0x0] =	vst.add.f32.msk $0xffff, v5  }
0x24b: {  	v1 =	vld [tilespmem:s12+$0x8000]  }
0x24c: {  	v3 =	vld [tilespmem:s2+$0x8000]  }
0x24d: {  	v63 =	vld [tilespmem:s24+$0x8000]  }
0x24e: {  	[tilespmem:s1+$0x0] =	vst.add.f32.msk @p1 $0xffff, v2  }
0x24f: {  	[tilespmem:s7+$0x0] =	vst.add.f32.msk @p1 $0xffff, v6  }
0x250: {  	[tilespmem:s23+$0x0] =	vst.add.f32.msk $0xffff, v1  }
0x251: {  	[tilespmem:s31+$0x0] =	vst.add.f32.msk $0xffff, v3  }
0x252: {  	[tilespmem:s10+$0x0] =	vst.add.f32.msk $0xffff, v63  }
0x253: {  	s28 =	sld [smem:$0x7FC];
	_ =	sdelay $0x2  }
0x254: {  	[hbm4b:s28+s29] =	stream.linear.scatter [tilespmem:s29], [sflag:$0x1], $0x8000, $0x38;
	[tilespmem:$0x1C980] =	vst v63  }
0x255: {  	_ =	swait.ge [sflag:s30], $0x8000  }
0x256: {  	s31 =	sld [smem:$0x7FD];
	_ =	sdelay $0x1  }
0x257: {  	s25 =	sadd.s32 $0x1, s25  }
0x258: {  	p1 =	seq.s32 s25, s31  }
.Ltmp4:
0x259: {  	_ = 	snop;
	(pc) =	sbr.rel @!p1 .LBB2_1-.Ltmp4, $4  }
.Ltmp5:
0x25a: {  	_ = 	snop;
	(pc) =	sbr.rel @p1 .LBB2_10-.Ltmp5, $4  }
0x25b: {  	_ = 	snop  }
0x25c: {  	[sflag:s30] =	ssyncset.done $0x0  }
0x25d: {  	[sflag:s30] =	ssyncadd.s32 $0xFFFF8000  }
0x25e: {  	_ = 	snop  }
.LBB2_4:
.Ltmp6:
0x25f: {  	(pc) =	sbr.rel .LBB2_9-.Ltmp6, $2  }
0x260: {  	_ =	sdelay $0x2  }
0x261: {  	s29 =	simm.s32 $0x0  }
.LBB2_6:
0x262: {  	s1 =	smov.u32 s31;
	s31 =	rddreg [dreg:$0x5]  }
0x263: {  	s10 =	rddreg [dreg:$0x6]  }
0x264: {  	s8 =	smov.u32 s23;
	s7 =	smov.u32 s25;
	s25 =	sld [smem:$0x7F7]  }
.Ltmp7:
0x265: {  	s23 =	smov.u32 s13;
	s13 =	rddreg [dreg:$0x9];
	(pc) =	sbr.rel .LBB2_9-.Ltmp7, $4  }
0x266: {  	s18 =	rddreg [dreg:$0xa]  }
0x267: {  	s17 =	rddreg [dreg:$0xc]  }
0x268: {  	s0 =	smov.u32 s24;
	s24 =	smov.u32 s14;
	s20 =	rddreg [dreg:$0xd]  }
0x269: {  	s29 =	simm.s32 $0x0;
	s30 =	simm.s32 $0x1;
	s21 =	rddreg [dreg:$0xe]  }
.LBB2_10:
0x26a: {  	_ =	sfence.sel $0x180000  }
0x26b: {  	[bflag:$0x0] =	sbarrier.arrive $0xFFFF  }
0x26c: {  	_ =	strace $0x90000047  }
0x26d: {  	s0 =	stileid.u32;
	[bflag:$0x2] =	sbarrier.arrive $0xFFFF  }
0x26e: {  	p0 =	sne.s32 s0, $0x0;
	s0 =	rddreg [dreg:$0x3]  }
0x26f: {  	s0 =	sadd.s32 @!p0 $0x100000, s0  }
0x270: {  	[sflag:s0] =	ssyncadd.tile.s32 @!p0 $0x1;
	_ =	shalt  }
.Lfunc_end2:
_tile_overlayer_lowered:
.L_overlay_start_2:
0x271: {  	(tag) =	ssettag $0x2  }
0x272: {  	s0 =	rddreg [dreg:$0x0];
	s2 =	stileid.u32  }
0x273: {  	s1 =	rddreg [dreg:$0x1];
	p0 =	sne.s32 s2, $0x0  }
0x274: {  	s3 =	rddreg [dreg:$0x2];
	[bflag:$0x3] =	sbarrier.arrive $0xFFFF;
	s2 =	simm.s32 @!p0 $0x1C01  }
0x275: {  	[timem:s3], [sflag:s2] =	dma.local @!p0 [hbm:s0], s1  }
0x276: {  	s0 =	simm.s32 @!p0 $0x1  }
0x277: {  	_ =	swait.ge @!p0 [sflag:s0], s1  }
0x278: {  	s1 =	ssub.s32 @!p0 $0x0, s1;
	[sflag:s0] =	ssyncset.done @!p0 $0x0  }
0x279: {  	[sflag:s0] =	ssyncadd.s32 @!p0 s1  }
0x27a: {  	[bflag:$0x3] =	sbarrier.arrive $0xFFFF  }
0x27b: {  	_ =	shalt  }

</sc_bundles>
